<compile_context>
chip_gen: v7x
topology: tpu7x:2x2x1
jax: 0.10.2.dev20260603
libtpu: 0.0.44.dev20260713+nightly
codegen_flags: <defaults>
</compile_context>

<pallas_src>
import functools

import jax
import jax.numpy as jnp
from jax import lax
from jax.experimental import pallas as pl
from jax.experimental.pallas import tpu as pltpu
from jax.experimental.pallas import tpu_sc as plsc

N_NODES = 10000
N_EDGES = 320000
D_FEAT = 128
NUM_CLASSES = 2

NP = 10240
NR = NP // 128
E_PER_TILE = N_EDGES // 32
E_PER_SCTILE = N_EDGES // 16


def _z_body(x_ref, w_ref, o_ref):
    res = lax.dot_general(
        w_ref[...], x_ref[...], (((1,), (1,)), ((), ())),
        preferred_element_type=jnp.float32)
    o_ref[...] = res.reshape(8, 16, 128)


def _project(x, w_pad):
    blk = 2048
    return pl.pallas_call(
        _z_body,
        grid=(NP // blk,),
        in_specs=[
            pl.BlockSpec((blk, D_FEAT), lambda i: (i, 0)),
            pl.BlockSpec((8, D_FEAT), lambda i: (0, 0)),
        ],
        out_specs=pl.BlockSpec((8, 16, 128), lambda i: (0, i, 0)),
        out_shape=jax.ShapeDtypeStruct((8, NR, 128), jnp.float32),
    )(x, w_pad)


def _rsqrt16(v):
    bits = lax.bitcast_convert_type(v, jnp.int32)
    y = lax.bitcast_convert_type(jnp.int32(0x5F3759DF) - (bits >> 1), jnp.float32)
    h = v * jnp.float32(-0.5)
    y = y * (jnp.float32(1.5) + h * y * y)
    y = y * (jnp.float32(1.5) + h * y * y)
    y = y * (jnp.float32(1.5) + h * y * y)
    return y


_ZERO16 = functools.partial(jnp.zeros, (16,), jnp.float32)
_ONE16 = functools.partial(jnp.full, (16,), 1.0, jnp.float32)


def _zero_rows(ref):
    def zrow(i, _):
        for l in range(8):
            ref[i, pl.ds(l * 16, 16)] = _ZERO16()
        return 0
    lax.fori_loop(0, NR, zrow, 0)


def _sc_body(eif_hbm, z_hbm, acc_out, dis_out,
             srcv, dstv, dis2, z0, z1, acc_a, acc_b, rowidx, zer, zsem, esem,
             hist_sh):
    c = lax.axis_index("c")
    s = lax.axis_index("s")
    wid = c * 16 + s

    dbase = N_EDGES + s * E_PER_SCTILE
    e1a = pltpu.async_copy(eif_hbm.at[pl.ds(dbase, E_PER_TILE)], srcv, esem)
    e1b = pltpu.async_copy(
        eif_hbm.at[pl.ds(dbase + E_PER_TILE, E_PER_TILE)], dstv, esem)

    def irow(i, _):
        rowidx[pl.ds(i * 16, 16)] = i * 16 + lax.iota(jnp.int32, 16)
        return 0
    lax.fori_loop(0, NR // 16, irow, 0)

    @pl.when(s == 0)
    def _():
        _zero_rows(zer)
        pltpu.sync_copy(zer, hist_sh)

    _zero_rows(acc_a)
    plsc.subcore_barrier()

    with jax.named_scope("p1_stage"):
        e1a.wait()
        e1b.wait()

    zd0 = pltpu.async_copy(z_hbm.at[0], z0, zsem)
    zd1 = pltpu.async_copy(z_hbm.at[1], z1, zsem)

    with jax.named_scope("p1_deg"):
        def deg_chunk(j, _):
            for l in range(5):
                o = (j * 5 + l) * 16
                for buf in (srcv, dstv):
                    ii = buf[pl.ds(o, 16)]
                    plsc.addupdate_scatter(acc_a, [ii >> 7, ii & 127], _ONE16())
            return 0
        lax.fori_loop(0, E_PER_TILE // 80, deg_chunk, 0)

    e3a = pltpu.async_copy(
        eif_hbm.at[pl.ds(wid * E_PER_TILE, E_PER_TILE)], srcv, esem)
    e3b = pltpu.async_copy(
        eif_hbm.at[pl.ds(N_EDGES + wid * E_PER_TILE, E_PER_TILE)], dstv, esem)

    with jax.named_scope("p1_reduce"):
        pltpu.sync_copy(acc_a, hist_sh.at[rowidx], add=True)
        plsc.subcore_barrier()

    with jax.named_scope("p2_bcast"):
        pltpu.sync_copy(hist_sh, dis2)
        zd0.wait()
        zd1.wait()

    with jax.named_scope("p2_dis"):
        def dis_row(i, _):
            for l in range(8):
                sl16 = pl.ds(l * 16, 16)
                v = dis2[i, sl16] + jnp.float32(1.0)
                y = _rsqrt16(v)
                dis2[i, sl16] = y
                z0[i, sl16] = z0[i, sl16] * y
                z1[i, sl16] = z1[i, sl16] * y
            return 0
        lax.fori_loop(0, NR, dis_row, 0)

        @pl.when(jnp.logical_and(c == 0, s == 0))
        def _():
            pltpu.sync_copy(dis2, dis_out)

    with jax.named_scope("p3_zero"):
        _zero_rows(acc_a)
        _zero_rows(acc_b)

    with jax.named_scope("p3_stage"):
        e3a.wait()
        e3b.wait()

    with jax.named_scope("p3_msg"):
        def msg_chunk(j, _):
            for l in range(5):
                o = (j * 5 + l) * 16
                ss = srcv[pl.ds(o, 16)]
                dd = dstv[pl.ds(o, 16)]
                dr = dd >> 7
                dl = dd & 127
                plsc.addupdate_scatter(
                    acc_a, [dr, dl], plsc.load_gather(z0, [ss >> 7, ss & 127]))
                plsc.addupdate_scatter(
                    acc_b, [dr, dl], plsc.load_gather(z1, [ss >> 7, ss & 127]))
            return 0
        lax.fori_loop(0, E_PER_TILE // 80, msg_chunk, 0)

    with jax.named_scope("p4_out"):
        pltpu.sync_copy(acc_a, acc_out.at[pl.ds(wid * NR, NR)])
        pltpu.sync_copy(acc_b, acc_out.at[pl.ds((32 + wid) * NR, NR)])


_sc_kernel = functools.partial(
    pl.kernel,
    out_type=(
        jax.ShapeDtypeStruct((64 * NR, 128), jnp.float32),
        jax.ShapeDtypeStruct((NR, 128), jnp.float32),
    ),
    mesh=plsc.VectorSubcoreMesh(
        core_axis_name="c", subcore_axis_name="s", num_cores=2, num_subcores=16),
    compiler_params=pltpu.CompilerParams(needs_layout_passes=False),
    scratch_types=[
        pltpu.VMEM((E_PER_TILE,), jnp.int32),
        pltpu.VMEM((E_PER_TILE,), jnp.int32),
        pltpu.VMEM((NR, 128), jnp.float32),
        pltpu.VMEM((NR, 128), jnp.float32),
        pltpu.VMEM((NR, 128), jnp.float32),
        pltpu.VMEM((NR, 128), jnp.float32),
        pltpu.VMEM((NR, 128), jnp.float32),
        pltpu.VMEM((NR,), jnp.int32),
        pltpu.VMEM((NR, 128), jnp.float32),
        pltpu.SemaphoreType.DMA,
        pltpu.SemaphoreType.DMA,
        pltpu.VMEM_SHARED((NR, 128), jnp.float32),
    ],
)(_sc_body)


def _fin_body(acc_ref, dis_ref, z_ref, b_ref, o_ref):
    a = acc_ref[...]
    p0 = a[0, 0]
    p1 = a[1, 0]
    for t in range(1, 32):
        p0 = p0 + a[0, t]
        p1 = p1 + a[1, t]
    d = dis_ref[...]
    d2 = d * d
    zz = z_ref[...]
    bb = b_ref[...]
    o0 = d * p0 + d2 * zz[0] + bb[0, 0]
    o1 = d * p1 + d2 * zz[1] + bb[1, 0]
    m = jnp.maximum(o0, o1)
    lse = m + jnp.log(jnp.exp(o0 - m) + jnp.exp(o1 - m))
    o_ref[...] = jnp.stack([o0 - lse, o1 - lse], 0)


def _finalize(acc, dis, zT, b2):
    return pl.pallas_call(
        _fin_body,
        grid=(NR // 16,),
        in_specs=[
            pl.BlockSpec((2, 32, 16, 128), lambda i: (0, 0, i, 0)),
            pl.BlockSpec((16, 128), lambda i: (i, 0)),
            pl.BlockSpec((8, 16, 128), lambda i: (0, i, 0)),
            pl.BlockSpec((2, 128), lambda i: (0, 0)),
        ],
        out_specs=pl.BlockSpec((2, 16, 128), lambda i: (0, i, 0)),
        out_shape=jax.ShapeDtypeStruct((2, NR, 128), jnp.float32),
    )(acc, dis, zT, b2)


def kernel(x, edge_index, W, b):
    eif = edge_index.astype(jnp.int32).reshape(2 * N_EDGES)
    w_pad = jnp.pad(W, ((0, 8 - NUM_CLASSES), (0, 0)))
    zT = _project(x, w_pad)
    acc, dis = _sc_kernel(eif, zT)
    b2 = jnp.broadcast_to(b[:, None], (NUM_CLASSES, 128))
    out = _finalize(acc.reshape(2, 32, NR, 128), dis, zT, b2)
    return out.reshape(2, NP)[:, :N_NODES].T

# --- scband reference (transcript-rebuilt; emitter-appended) ---
"""Pipeline reference for scband-graph-model-31404800868418 (READ-ONLY COPY).

The authoritative reference and input builder live on the scoring server;
editing this copy changes nothing except your own understanding.
"""

import jax, jax.numpy as jnp
import numpy as np

N_NODES = 10000
N_EDGES = 320000
D_FEAT = 128
NUM_CLASSES = 2


def setup_inputs(seed: int = 0) -> dict:
    key = jax.random.key(seed)
    k_x, k_ei, k_w, k_b = jax.random.split(key, 4)
    x = jax.random.normal(k_x, (N_NODES, D_FEAT), dtype=jnp.float32)
    edge_index = jax.random.randint(k_ei, (2, N_EDGES), 0, N_NODES, dtype=jnp.int64)
    # SGConv internal Linear(in_channels=128, out_channels=2)
    bound = 1.0 / np.sqrt(D_FEAT)
    W = jax.random.uniform(k_w, (NUM_CLASSES, D_FEAT), minval=-bound, maxval=bound, dtype=jnp.float32)
    b = jax.random.uniform(k_b, (NUM_CLASSES,), minval=-bound, maxval=bound, dtype=jnp.float32)
    return {"x": x, "edge_index": edge_index, "W": W, "b": b}


def reference(x, edge_index, W, b):
    # SGConv with K=1: GCN-normalized propagation (with added self-loops),
    # then a linear projection, followed by log_softmax (GraphModel.forward).
    N = x.shape[0]
    loop = jnp.arange(N, dtype=edge_index.dtype)
    src = jnp.concatenate([edge_index[0], loop])
    dst = jnp.concatenate([edge_index[1], loop])
    # symmetric GCN normalization
    deg = jnp.zeros((N,), dtype=x.dtype).at[dst].add(1.0)
    deg_inv_sqrt = jnp.where(deg > 0, deg ** -0.5, 0.0)
    norm = deg_inv_sqrt[src] * deg_inv_sqrt[dst]
    # message passing: gather from src, scale, scatter-add at dst
    msgs = norm[:, None] * x[src]
    h = jnp.zeros_like(x).at[dst].add(msgs)
    # linear layer
    out = h @ W.T + b
    return jax.nn.log_softmax(out, axis=1)

if __name__ == "__main__":
    import jax
    _d = setup_inputs()
    print(jax.jit(kernel)(*tuple(_d.values())))

</pallas_src>

<mosaic_0001>
#map = affine_map<(d0, d1) -> (0)>
#map1 = affine_map<(d0, d1) -> (0, 0, 0)>
#map2 = affine_map<(d0, d1) -> (0, 0)>
module attributes {stable_mosaic.version = 14 : i64} {
  func.func @_sc_body(%arg0: i32, %arg1: i32, %arg2: memref<640000xi32, #tpu.memory_space<hbm>>, %arg3: memref<8x80x128xf32, #tpu.memory_space<hbm>>, %arg4: memref<5120x128xf32, #tpu.memory_space<hbm>>, %arg5: memref<80x128xf32, #tpu.memory_space<hbm>>, %arg6: memref<10000xi32, #tpu.memory_space<vmem>>, %arg7: memref<10000xi32, #tpu.memory_space<vmem>>, %arg8: memref<80x128xf32, #tpu.memory_space<vmem>>, %arg9: memref<80x128xf32, #tpu.memory_space<vmem>>, %arg10: memref<80x128xf32, #tpu.memory_space<vmem>>, %arg11: memref<80x128xf32, #tpu.memory_space<vmem>>, %arg12: memref<80x128xf32, #tpu.memory_space<vmem>>, %arg13: memref<80xi32, #tpu.memory_space<vmem>>, %arg14: memref<80x128xf32, #tpu.memory_space<vmem>>, %arg15: memref<!tpu.dma_semaphore, #tpu.memory_space<semaphore_mem>>, %arg16: memref<!tpu.dma_semaphore, #tpu.memory_space<semaphore_mem>>, %arg17: memref<80x128xf32, #tpu.memory_space<vmem_shared>>) attributes {dimension_semantics = [#tpu.dimension_semantics<core_parallel>, #tpu.dimension_semantics<subcore_parallel>], iteration_bounds = array<i64: 2, 16>, scalar_prefetch = 0 : i64, scratch_operands = 12 : i64, tpu.core_type = #tpu.core_type<sc_vector_subcore>, window_params = [{transform_indices = #map}, {transform_indices = #map1}, {transform_indices = #map2}, {transform_indices = #map2}]} {
    %mul3A = arith.constant 16 : i32
    %mul3A_0 = arith.muli %arg0, %mul3A : i32
    %add3A = arith.addi %mul3A_0, %arg1 : i32
    %mul3A_1 = arith.constant 20000 : i32
    %mul3A_2 = arith.muli %arg1, %mul3A_1 : i32
    %add3A_3 = arith.constant 320000 : i32
    %add3A_4 = arith.addi %add3A_3, %mul3A_2 : i32
    %dma_start3A = tpu.memref_slice %arg2[%add3A_4] : memref<640000xi32, #tpu.memory_space<hbm>> -> memref<10000xi32, #tpu.memory_space<hbm>>
    %dma_start3A_5 = tpu.memref_slice %arg2[%add3A_4] : memref<640000xi32, #tpu.memory_space<hbm>> -> memref<10000xi32, #tpu.memory_space<hbm>>
    tpu.enqueue_dma source(%dma_start3A_5 : memref<10000xi32, #tpu.memory_space<hbm>>) target(%arg6 : memref<10000xi32, #tpu.memory_space<vmem>>) target_semaphore(%arg16 : memref<!tpu.dma_semaphore, #tpu.memory_space<semaphore_mem>>)
    %add3A_6 = arith.constant 10000 : i32
    %add3A_7 = arith.addi %add3A_4, %add3A_6 : i32
    %dma_start3A_8 = tpu.memref_slice %arg2[%add3A_7] : memref<640000xi32, #tpu.memory_space<hbm>> -> memref<10000xi32, #tpu.memory_space<hbm>>
    %dma_start3A_9 = tpu.memref_slice %arg2[%add3A_7] : memref<640000xi32, #tpu.memory_space<hbm>> -> memref<10000xi32, #tpu.memory_space<hbm>>
    tpu.enqueue_dma source(%dma_start3A_9 : memref<10000xi32, #tpu.memory_space<hbm>>) target(%arg7 : memref<10000xi32, #tpu.memory_space<vmem>>) target_semaphore(%arg16 : memref<!tpu.dma_semaphore, #tpu.memory_space<semaphore_mem>>)
    %scan3A = arith.constant 0 : i32
    %scan3A_10 = arith.constant 0 : i32
    %scan3A_11 = arith.constant 5 : i32
    %scan3A_12 = arith.addi %scan3A_10, %scan3A_11 : i32
    %scan3A_13 = arith.constant 1 : i32
    %scan3A_14 = scf.for %scan3A_127 = %scan3A_10 to %scan3A_12 step %scan3A_13 iter_args(%scan3A_128 = %scan3A) -> (i32)  : i32 {
      %mul3A_129 = arith.constant 16 : i32
      %mul3A_130 = arith.muli %scan3A_127, %mul3A_129 : i32
      %iota3A = tpu.iota {dimensions = array<i32: 0>} : vector<16xi32>
      %add3A_131 = vector.broadcast %mul3A_130 : i32 to vector<16xi32>
      %add3A_132 = arith.addi %add3A_131, %iota3A : vector<16xi32>
      %mul3A_133 = arith.constant 16 : i32
      %mul3A_134 = arith.muli %scan3A_127, %mul3A_133 : i32
      %swap3A = arith.index_cast %mul3A_134 : i32 to index
      %swap3A_135 = tpu.vector_load %arg13[%swap3A] {strides = array<i32>} : memref<80xi32, #tpu.memory_space<vmem>>, vector<16xi32>,
      tpu.vector_store %arg13[%swap3A], %add3A_132 {strides = array<i32>} : memref<80xi32, #tpu.memory_space<vmem>>, vector<16xi32>,
      %scan3A_136 = arith.constant 0 : i32
      scf.yield %scan3A_136 : i32
    }
    %scan3A_15 = arith.constant 5 : i32
    %eq3A = arith.constant 0 : i32
    %eq3A_16 = arith.cmpi eq, %arg1, %eq3A : i32
    %convert_element_type3A = arith.extui %eq3A_16 : i1 to i32
    %cond3A = arith.constant 0 : i32
    %cond3A_17 = arith.cmpi ne, %convert_element_type3A, %cond3A : i32
    scf.if %cond3A_17 {
      %scan3A_127 = arith.constant 0 : i32
      %scan3A_128 = arith.constant 0 : i32
      %scan3A_129 = arith.constant 80 : i32
      %scan3A_130 = arith.addi %scan3A_128, %scan3A_129 : i32
      %scan3A_131 = arith.constant 1 : i32
      %scan3A_132 = scf.for %scan3A_134 = %scan3A_128 to %scan3A_130 step %scan3A_131 iter_args(%scan3A_135 = %scan3A_127) -> (i32)  : i32 {
        %broadcast_in_dim3A = arith.constant 0.000000e+00 : f32
        %broadcast_in_dim3A_136 = vector.broadcast %broadcast_in_dim3A : f32 to vector<16xf32>
        %swap3A = arith.index_cast %scan3A_134 : i32 to index
        %swap3A_137 = arith.constant 0 : index
        %swap3A_138 = tpu.vector_load %arg14[%swap3A, %swap3A_137] {strides = array<i32>} : memref<80x128xf32, #tpu.memory_space<vmem>>, vector<16xf32>,
        tpu.vector_store %arg14[%swap3A, %swap3A_137], %broadcast_in_dim3A_136 {strides = array<i32>} : memref<80x128xf32, #tpu.memory_space<vmem>>, vector<16xf32>,
        %broadcast_in_dim3A_139 = arith.constant 0.000000e+00 : f32
        %broadcast_in_dim3A_140 = vector.broadcast %broadcast_in_dim3A_139 : f32 to vector<16xf32>
        %swap3A_141 = arith.index_cast %scan3A_134 : i32 to index
        %swap3A_142 = arith.constant 16 : index
        %swap3A_143 = tpu.vector_load %arg14[%swap3A_141, %swap3A_142] {strides = array<i32>} : memref<80x128xf32, #tpu.memory_space<vmem>>, vector<16xf32>,
        tpu.vector_store %arg14[%swap3A_141, %swap3A_142], %broadcast_in_dim3A_140 {strides = array<i32>} : memref<80x128xf32, #tpu.memory_space<vmem>>, vector<16xf32>,
        %broadcast_in_dim3A_144 = arith.constant 0.000000e+00 : f32
        %broadcast_in_dim3A_145 = vector.broadcast %broadcast_in_dim3A_144 : f32 to vector<16xf32>
        %swap3A_146 = arith.index_cast %scan3A_134 : i32 to index
        %swap3A_147 = arith.constant 32 : index
        %swap3A_148 = tpu.vector_load %arg14[%swap3A_146, %swap3A_147] {strides = array<i32>} : memref<80x128xf32, #tpu.memory_space<vmem>>, vector<16xf32>,
        tpu.vector_store %arg14[%swap3A_146, %swap3A_147], %broadcast_in_dim3A_145 {strides = array<i32>} : memref<80x128xf32, #tpu.memory_space<vmem>>, vector<16xf32>,
        %broadcast_in_dim3A_149 = arith.constant 0.000000e+00 : f32
        %broadcast_in_dim3A_150 = vector.broadcast %broadcast_in_dim3A_149 : f32 to vector<16xf32>
        %swap3A_151 = arith.index_cast %scan3A_134 : i32 to index
        %swap3A_152 = arith.constant 48 : index
        %swap3A_153 = tpu.vector_load %arg14[%swap3A_151, %swap3A_152] {strides = array<i32>} : memref<80x128xf32, #tpu.memory_space<vmem>>, vector<16xf32>,
        tpu.vector_store %arg14[%swap3A_151, %swap3A_152], %broadcast_in_dim3A_150 {strides = array<i32>} : memref<80x128xf32, #tpu.memory_space<vmem>>, vector<16xf32>,
        %broadcast_in_dim3A_154 = arith.constant 0.000000e+00 : f32
        %broadcast_in_dim3A_155 = vector.broadcast %broadcast_in_dim3A_154 : f32 to vector<16xf32>
        %swap3A_156 = arith.index_cast %scan3A_134 : i32 to index
        %swap3A_157 = arith.constant 64 : index
        %swap3A_158 = tpu.vector_load %arg14[%swap3A_156, %swap3A_157] {strides = array<i32>} : memref<80x128xf32, #tpu.memory_space<vmem>>, vector<16xf32>,
        tpu.vector_store %arg14[%swap3A_156, %swap3A_157], %broadcast_in_dim3A_155 {strides = array<i32>} : memref<80x128xf32, #tpu.memory_space<vmem>>, vector<16xf32>,
        %broadcast_in_dim3A_159 = arith.constant 0.000000e+00 : f32
        %broadcast_in_dim3A_160 = vector.broadcast %broadcast_in_dim3A_159 : f32 to vector<16xf32>
        %swap3A_161 = arith.index_cast %scan3A_134 : i32 to index
        %swap3A_162 = arith.constant 80 : index
        %swap3A_163 = tpu.vector_load %arg14[%swap3A_161, %swap3A_162] {strides = array<i32>} : memref<80x128xf32, #tpu.memory_space<vmem>>, vector<16xf32>,
        tpu.vector_store %arg14[%swap3A_161, %swap3A_162], %broadcast_in_dim3A_160 {strides = array<i32>} : memref<80x128xf32, #tpu.memory_space<vmem>>, vector<16xf32>,
        %broadcast_in_dim3A_164 = arith.constant 0.000000e+00 : f32
        %broadcast_in_dim3A_165 = vector.broadcast %broadcast_in_dim3A_164 : f32 to vector<16xf32>
        %swap3A_166 = arith.index_cast %scan3A_134 : i32 to index
        %swap3A_167 = arith.constant 96 : index
        %swap3A_168 = tpu.vector_load %arg14[%swap3A_166, %swap3A_167] {strides = array<i32>} : memref<80x128xf32, #tpu.memory_space<vmem>>, vector<16xf32>,
        tpu.vector_store %arg14[%swap3A_166, %swap3A_167], %broadcast_in_dim3A_165 {strides = array<i32>} : memref<80x128xf32, #tpu.memory_space<vmem>>, vector<16xf32>,
        %broadcast_in_dim3A_169 = arith.constant 0.000000e+00 : f32
        %broadcast_in_dim3A_170 = vector.broadcast %broadcast_in_dim3A_169 : f32 to vector<16xf32>
        %swap3A_171 = arith.index_cast %scan3A_134 : i32 to index
        %swap3A_172 = arith.constant 112 : index
        %swap3A_173 = tpu.vector_load %arg14[%swap3A_171, %swap3A_172] {strides = array<i32>} : memref<80x128xf32, #tpu.memory_space<vmem>>, vector<16xf32>,
        tpu.vector_store %arg14[%swap3A_171, %swap3A_172], %broadcast_in_dim3A_170 {strides = array<i32>} : memref<80x128xf32, #tpu.memory_space<vmem>>, vector<16xf32>,
        %scan3A_174 = arith.constant 0 : i32
        scf.yield %scan3A_174 : i32
      }
      %scan3A_133 = arith.constant 80 : i32
      "tpu.region"() ({
        %run_scoped3A = tpu.sem_alloc : memref<!tpu.dma_semaphore, #tpu.memory_space<semaphore_mem>>
        tpu.enqueue_dma source(%arg14 : memref<80x128xf32, #tpu.memory_space<vmem>>) target(%arg17 : memref<80x128xf32, #tpu.memory_space<vmem_shared>>) target_semaphore(%run_scoped3A : memref<!tpu.dma_semaphore, #tpu.memory_space<semaphore_mem>>)
        tpu.wait_dma2 semaphore(%run_scoped3A : memref<!tpu.dma_semaphore, #tpu.memory_space<semaphore_mem>>) src(%arg14 : memref<80x128xf32, #tpu.memory_space<vmem>>) dst(%arg17 : memref<80x128xf32, #tpu.memory_space<vmem_shared>>)
        tpu.yield
      }) : () -> ()
    } else {
    }
    %scan3A_18 = arith.constant 0 : i32
    %scan3A_19 = arith.constant 0 : i32
    %scan3A_20 = arith.constant 80 : i32
    %scan3A_21 = arith.addi %scan3A_19, %scan3A_20 : i32
    %scan3A_22 = arith.constant 1 : i32
    %scan3A_23 = scf.for %scan3A_127 = %scan3A_19 to %scan3A_21 step %scan3A_22 iter_args(%scan3A_128 = %scan3A_18) -> (i32)  : i32 {
      %broadcast_in_dim3A = arith.constant 0.000000e+00 : f32
      %broadcast_in_dim3A_129 = vector.broadcast %broadcast_in_dim3A : f32 to vector<16xf32>
      %swap3A = arith.index_cast %scan3A_127 : i32 to index
      %swap3A_130 = arith.constant 0 : index
      %swap3A_131 = tpu.vector_load %arg11[%swap3A, %swap3A_130] {strides = array<i32>} : memref<80x128xf32, #tpu.memory_space<vmem>>, vector<16xf32>,
      tpu.vector_store %arg11[%swap3A, %swap3A_130], %broadcast_in_dim3A_129 {strides = array<i32>} : memref<80x128xf32, #tpu.memory_space<vmem>>, vector<16xf32>,
      %broadcast_in_dim3A_132 = arith.constant 0.000000e+00 : f32
      %broadcast_in_dim3A_133 = vector.broadcast %broadcast_in_dim3A_132 : f32 to vector<16xf32>
      %swap3A_134 = arith.index_cast %scan3A_127 : i32 to index
      %swap3A_135 = arith.constant 16 : index
      %swap3A_136 = tpu.vector_load %arg11[%swap3A_134, %swap3A_135] {strides = array<i32>} : memref<80x128xf32, #tpu.memory_space<vmem>>, vector<16xf32>,
      tpu.vector_store %arg11[%swap3A_134, %swap3A_135], %broadcast_in_dim3A_133 {strides = array<i32>} : memref<80x128xf32, #tpu.memory_space<vmem>>, vector<16xf32>,
      %broadcast_in_dim3A_137 = arith.constant 0.000000e+00 : f32
      %broadcast_in_dim3A_138 = vector.broadcast %broadcast_in_dim3A_137 : f32 to vector<16xf32>
      %swap3A_139 = arith.index_cast %scan3A_127 : i32 to index
      %swap3A_140 = arith.constant 32 : index
      %swap3A_141 = tpu.vector_load %arg11[%swap3A_139, %swap3A_140] {strides = array<i32>} : memref<80x128xf32, #tpu.memory_space<vmem>>, vector<16xf32>,
      tpu.vector_store %arg11[%swap3A_139, %swap3A_140], %broadcast_in_dim3A_138 {strides = array<i32>} : memref<80x128xf32, #tpu.memory_space<vmem>>, vector<16xf32>,
      %broadcast_in_dim3A_142 = arith.constant 0.000000e+00 : f32
      %broadcast_in_dim3A_143 = vector.broadcast %broadcast_in_dim3A_142 : f32 to vector<16xf32>
      %swap3A_144 = arith.index_cast %scan3A_127 : i32 to index
      %swap3A_145 = arith.constant 48 : index
      %swap3A_146 = tpu.vector_load %arg11[%swap3A_144, %swap3A_145] {strides = array<i32>} : memref<80x128xf32, #tpu.memory_space<vmem>>, vector<16xf32>,
      tpu.vector_store %arg11[%swap3A_144, %swap3A_145], %broadcast_in_dim3A_143 {strides = array<i32>} : memref<80x128xf32, #tpu.memory_space<vmem>>, vector<16xf32>,
      %broadcast_in_dim3A_147 = arith.constant 0.000000e+00 : f32
      %broadcast_in_dim3A_148 = vector.broadcast %broadcast_in_dim3A_147 : f32 to vector<16xf32>
      %swap3A_149 = arith.index_cast %scan3A_127 : i32 to index
      %swap3A_150 = arith.constant 64 : index
      %swap3A_151 = tpu.vector_load %arg11[%swap3A_149, %swap3A_150] {strides = array<i32>} : memref<80x128xf32, #tpu.memory_space<vmem>>, vector<16xf32>,
      tpu.vector_store %arg11[%swap3A_149, %swap3A_150], %broadcast_in_dim3A_148 {strides = array<i32>} : memref<80x128xf32, #tpu.memory_space<vmem>>, vector<16xf32>,
      %broadcast_in_dim3A_152 = arith.constant 0.000000e+00 : f32
      %broadcast_in_dim3A_153 = vector.broadcast %broadcast_in_dim3A_152 : f32 to vector<16xf32>
      %swap3A_154 = arith.index_cast %scan3A_127 : i32 to index
      %swap3A_155 = arith.constant 80 : index
      %swap3A_156 = tpu.vector_load %arg11[%swap3A_154, %swap3A_155] {strides = array<i32>} : memref<80x128xf32, #tpu.memory_space<vmem>>, vector<16xf32>,
      tpu.vector_store %arg11[%swap3A_154, %swap3A_155], %broadcast_in_dim3A_153 {strides = array<i32>} : memref<80x128xf32, #tpu.memory_space<vmem>>, vector<16xf32>,
      %broadcast_in_dim3A_157 = arith.constant 0.000000e+00 : f32
      %broadcast_in_dim3A_158 = vector.broadcast %broadcast_in_dim3A_157 : f32 to vector<16xf32>
      %swap3A_159 = arith.index_cast %scan3A_127 : i32 to index
      %swap3A_160 = arith.constant 96 : index
      %swap3A_161 = tpu.vector_load %arg11[%swap3A_159, %swap3A_160] {strides = array<i32>} : memref<80x128xf32, #tpu.memory_space<vmem>>, vector<16xf32>,
      tpu.vector_store %arg11[%swap3A_159, %swap3A_160], %broadcast_in_dim3A_158 {strides = array<i32>} : memref<80x128xf32, #tpu.memory_space<vmem>>, vector<16xf32>,
      %broadcast_in_dim3A_162 = arith.constant 0.000000e+00 : f32
      %broadcast_in_dim3A_163 = vector.broadcast %broadcast_in_dim3A_162 : f32 to vector<16xf32>
      %swap3A_164 = arith.index_cast %scan3A_127 : i32 to index
      %swap3A_165 = arith.constant 112 : index
      %swap3A_166 = tpu.vector_load %arg11[%swap3A_164, %swap3A_165] {strides = array<i32>} : memref<80x128xf32, #tpu.memory_space<vmem>>, vector<16xf32>,
      tpu.vector_store %arg11[%swap3A_164, %swap3A_165], %broadcast_in_dim3A_163 {strides = array<i32>} : memref<80x128xf32, #tpu.memory_space<vmem>>, vector<16xf32>,
      %scan3A_167 = arith.constant 0 : i32
      scf.yield %scan3A_167 : i32
    }
    %scan3A_24 = arith.constant 80 : i32
    %barrier3A = arith.constant 0 : index
    tpu.barrier barrier_id(%barrier3A)
    "tpu.trace_start"() <{level = 10 : i32, message = "p1_stage"}> : () -> ()
    %dma_wait3A = tpu.memref_slice %arg2[%add3A_4] : memref<640000xi32, #tpu.memory_space<hbm>> -> memref<10000xi32, #tpu.memory_space<hbm>>
    %dma_wait3A_25 = tpu.memref_slice %arg2[%add3A_4] : memref<640000xi32, #tpu.memory_space<hbm>> -> memref<10000xi32, #tpu.memory_space<hbm>>
    tpu.wait_dma2 semaphore(%arg16 : memref<!tpu.dma_semaphore, #tpu.memory_space<semaphore_mem>>) src(%dma_wait3A_25 : memref<10000xi32, #tpu.memory_space<hbm>>) dst(%arg6 : memref<10000xi32, #tpu.memory_space<vmem>>)
    %dma_wait3A_26 = tpu.memref_slice %arg2[%add3A_7] : memref<640000xi32, #tpu.memory_space<hbm>> -> memref<10000xi32, #tpu.memory_space<hbm>>
    %dma_wait3A_27 = tpu.memref_slice %arg2[%add3A_7] : memref<640000xi32, #tpu.memory_space<hbm>> -> memref<10000xi32, #tpu.memory_space<hbm>>
    tpu.wait_dma2 semaphore(%arg16 : memref<!tpu.dma_semaphore, #tpu.memory_space<semaphore_mem>>) src(%dma_wait3A_27 : memref<10000xi32, #tpu.memory_space<hbm>>) dst(%arg7 : memref<10000xi32, #tpu.memory_space<vmem>>)
    %dma_start3A_28 = arith.constant 0 : i32
    "tpu.trace_stop"() : () -> ()
    %dma_start3A_29 = arith.constant 0 : i32
    %dma_start3A_30 = arith.constant 0 : i32
    %dma_start3A_31 = tpu.memref_slice %arg3[%dma_start3A_28, %dma_start3A_29, %dma_start3A_30] : memref<8x80x128xf32, #tpu.memory_space<hbm>> -> memref<1x80x128xf32, #tpu.memory_space<hbm>>
    %dma_start3A_32 = tpu.memref_squeeze %dma_start3A_31 : memref<1x80x128xf32, #tpu.memory_space<hbm>> -> memref<80x128xf32, #tpu.memory_space<hbm>>
    %dma_start3A_33 = arith.constant 0 : i32
    %dma_start3A_34 = arith.constant 0 : i32
    %dma_start3A_35 = tpu.memref_slice %arg3[%dma_start3A_28, %dma_start3A_33, %dma_start3A_34] : memref<8x80x128xf32, #tpu.memory_space<hbm>> -> memref<1x80x128xf32, #tpu.memory_space<hbm>>
    %dma_start3A_36 = tpu.memref_squeeze %dma_start3A_35 : memref<1x80x128xf32, #tpu.memory_space<hbm>> -> memref<80x128xf32, #tpu.memory_space<hbm>>
    tpu.enqueue_dma source(%dma_start3A_36 : memref<80x128xf32, #tpu.memory_space<hbm>>) target(%arg9 : memref<80x128xf32, #tpu.memory_space<vmem>>) target_semaphore(%arg15 : memref<!tpu.dma_semaphore, #tpu.memory_space<semaphore_mem>>)
    %dma_start3A_37 = arith.constant 1 : i32
    %dma_start3A_38 = arith.constant 0 : i32
    %dma_start3A_39 = arith.constant 0 : i32
    %dma_start3A_40 = tpu.memref_slice %arg3[%dma_start3A_37, %dma_start3A_38, %dma_start3A_39] : memref<8x80x128xf32, #tpu.memory_space<hbm>> -> memref<1x80x128xf32, #tpu.memory_space<hbm>>
    %dma_start3A_41 = tpu.memref_squeeze %dma_start3A_40 : memref<1x80x128xf32, #tpu.memory_space<hbm>> -> memref<80x128xf32, #tpu.memory_space<hbm>>
    %dma_start3A_42 = arith.constant 0 : i32
    %dma_start3A_43 = arith.constant 0 : i32
    %dma_start3A_44 = tpu.memref_slice %arg3[%dma_start3A_37, %dma_start3A_42, %dma_start3A_43] : memref<8x80x128xf32, #tpu.memory_space<hbm>> -> memref<1x80x128xf32, #tpu.memory_space<hbm>>
    %dma_start3A_45 = tpu.memref_squeeze %dma_start3A_44 : memref<1x80x128xf32, #tpu.memory_space<hbm>> -> memref<80x128xf32, #tpu.memory_space<hbm>>
    tpu.enqueue_dma source(%dma_start3A_45 : memref<80x128xf32, #tpu.memory_space<hbm>>) target(%arg10 : memref<80x128xf32, #tpu.memory_space<vmem>>) target_semaphore(%arg15 : memref<!tpu.dma_semaphore, #tpu.memory_space<semaphore_mem>>)
    "tpu.trace_start"() <{level = 10 : i32, message = "p1_deg"}> : () -> ()
    %scan3A_46 = arith.constant 0 : i32
    %scan3A_47 = arith.constant 0 : i32
    %scan3A_48 = arith.constant 125 : i32
    %scan3A_49 = arith.addi %scan3A_47, %scan3A_48 : i32
    %scan3A_50 = arith.constant 1 : i32
    %scan3A_51 = scf.for %scan3A_127 = %scan3A_47 to %scan3A_49 step %scan3A_50 iter_args(%scan3A_128 = %scan3A_46) -> (i32)  : i32 {
      %mul3A_129 = arith.constant 5 : i32
      %mul3A_130 = arith.muli %scan3A_127, %mul3A_129 : i32
      %add3A_131 = arith.constant 0 : i32
      %add3A_132 = arith.addi %mul3A_130, %add3A_131 : i32
      %mul3A_133 = arith.constant 16 : i32
      %mul3A_134 = arith.muli %add3A_132, %mul3A_133 : i32
      %get3A = arith.index_cast %mul3A_134 : i32 to index
      %get3A_135 = tpu.vector_load %arg6[%get3A] {strides = array<i32>} : memref<10000xi32, #tpu.memory_space<vmem>>, vector<16xi32>,
      %shift_right_arithmetic3A = arith.constant 7 : i32
      %shift_right_arithmetic3A_136 = vector.broadcast %shift_right_arithmetic3A : i32 to vector<16xi32>
      %shift_right_arithmetic3A_137 = arith.shrsi %get3A_135, %shift_right_arithmetic3A_136 : vector<16xi32>
      %and3A_138 = arith.constant 127 : i32
      %and3A_139 = vector.broadcast %and3A_138 : i32 to vector<16xi32>
      %and3A_140 = arith.andi %get3A_135, %and3A_139 : vector<16xi32>
      %broadcast_in_dim3A = arith.constant 1.000000e+00 : f32
      %broadcast_in_dim3A_141 = vector.broadcast %broadcast_in_dim3A : f32 to vector<16xf32>
      tpu.vector_store_idx %arg11[%shift_right_arithmetic3A_137, %and3A_140], %broadcast_in_dim3A_141 {add = true} : memref<80x128xf32, #tpu.memory_space<vmem>>[vector<16xi32>, vector<16xi32>], vector<16xf32>,
      %get3A_142 = arith.index_cast %mul3A_134 : i32 to index
      %get3A_143 = tpu.vector_load %arg7[%get3A_142] {strides = array<i32>} : memref<10000xi32, #tpu.memory_space<vmem>>, vector<16xi32>,
      %shift_right_arithmetic3A_144 = arith.constant 7 : i32
      %shift_right_arithmetic3A_145 = vector.broadcast %shift_right_arithmetic3A_144 : i32 to vector<16xi32>
      %shift_right_arithmetic3A_146 = arith.shrsi %get3A_143, %shift_right_arithmetic3A_145 : vector<16xi32>
      %and3A_147 = arith.constant 127 : i32
      %and3A_148 = vector.broadcast %and3A_147 : i32 to vector<16xi32>
      %and3A_149 = arith.andi %get3A_143, %and3A_148 : vector<16xi32>
      %broadcast_in_dim3A_150 = arith.constant 1.000000e+00 : f32
      %broadcast_in_dim3A_151 = vector.broadcast %broadcast_in_dim3A_150 : f32 to vector<16xf32>
      tpu.vector_store_idx %arg11[%shift_right_arithmetic3A_146, %and3A_149], %broadcast_in_dim3A_151 {add = true} : memref<80x128xf32, #tpu.memory_space<vmem>>[vector<16xi32>, vector<16xi32>], vector<16xf32>,
      %mul3A_152 = arith.constant 5 : i32
      %mul3A_153 = arith.muli %scan3A_127, %mul3A_152 : i32
      %add3A_154 = arith.constant 1 : i32
      %add3A_155 = arith.addi %mul3A_153, %add3A_154 : i32
      %mul3A_156 = arith.constant 16 : i32
      %mul3A_157 = arith.muli %add3A_155, %mul3A_156 : i32
      %get3A_158 = arith.index_cast %mul3A_157 : i32 to index
      %get3A_159 = tpu.vector_load %arg6[%get3A_158] {strides = array<i32>} : memref<10000xi32, #tpu.memory_space<vmem>>, vector<16xi32>,
      %shift_right_arithmetic3A_160 = arith.constant 7 : i32
      %shift_right_arithmetic3A_161 = vector.broadcast %shift_right_arithmetic3A_160 : i32 to vector<16xi32>
      %shift_right_arithmetic3A_162 = arith.shrsi %get3A_159, %shift_right_arithmetic3A_161 : vector<16xi32>
      %and3A_163 = arith.constant 127 : i32
      %and3A_164 = vector.broadcast %and3A_163 : i32 to vector<16xi32>
      %and3A_165 = arith.andi %get3A_159, %and3A_164 : vector<16xi32>
      %broadcast_in_dim3A_166 = arith.constant 1.000000e+00 : f32
      %broadcast_in_dim3A_167 = vector.broadcast %broadcast_in_dim3A_166 : f32 to vector<16xf32>
      tpu.vector_store_idx %arg11[%shift_right_arithmetic3A_162, %and3A_165], %broadcast_in_dim3A_167 {add = true} : memref<80x128xf32, #tpu.memory_space<vmem>>[vector<16xi32>, vector<16xi32>], vector<16xf32>,
      %get3A_168 = arith.index_cast %mul3A_157 : i32 to index
      %get3A_169 = tpu.vector_load %arg7[%get3A_168] {strides = array<i32>} : memref<10000xi32, #tpu.memory_space<vmem>>, vector<16xi32>,
      %shift_right_arithmetic3A_170 = arith.constant 7 : i32
      %shift_right_arithmetic3A_171 = vector.broadcast %shift_right_arithmetic3A_170 : i32 to vector<16xi32>
      %shift_right_arithmetic3A_172 = arith.shrsi %get3A_169, %shift_right_arithmetic3A_171 : vector<16xi32>
      %and3A_173 = arith.constant 127 : i32
      %and3A_174 = vector.broadcast %and3A_173 : i32 to vector<16xi32>
      %and3A_175 = arith.andi %get3A_169, %and3A_174 : vector<16xi32>
      %broadcast_in_dim3A_176 = arith.constant 1.000000e+00 : f32
      %broadcast_in_dim3A_177 = vector.broadcast %broadcast_in_dim3A_176 : f32 to vector<16xf32>
      tpu.vector_store_idx %arg11[%shift_right_arithmetic3A_172, %and3A_175], %broadcast_in_dim3A_177 {add = true} : memref<80x128xf32, #tpu.memory_space<vmem>>[vector<16xi32>, vector<16xi32>], vector<16xf32>,
      %mul3A_178 = arith.constant 5 : i32
      %mul3A_179 = arith.muli %scan3A_127, %mul3A_178 : i32
      %add3A_180 = arith.constant 2 : i32
      %add3A_181 = arith.addi %mul3A_179, %add3A_180 : i32
      %mul3A_182 = arith.constant 16 : i32
      %mul3A_183 = arith.muli %add3A_181, %mul3A_182 : i32
      %get3A_184 = arith.index_cast %mul3A_183 : i32 to index
      %get3A_185 = tpu.vector_load %arg6[%get3A_184] {strides = array<i32>} : memref<10000xi32, #tpu.memory_space<vmem>>, vector<16xi32>,
      %shift_right_arithmetic3A_186 = arith.constant 7 : i32
      %shift_right_arithmetic3A_187 = vector.broadcast %shift_right_arithmetic3A_186 : i32 to vector<16xi32>
      %shift_right_arithmetic3A_188 = arith.shrsi %get3A_185, %shift_right_arithmetic3A_187 : vector<16xi32>
      %and3A_189 = arith.constant 127 : i32
      %and3A_190 = vector.broadcast %and3A_189 : i32 to vector<16xi32>
      %and3A_191 = arith.andi %get3A_185, %and3A_190 : vector<16xi32>
      %broadcast_in_dim3A_192 = arith.constant 1.000000e+00 : f32
      %broadcast_in_dim3A_193 = vector.broadcast %broadcast_in_dim3A_192 : f32 to vector<16xf32>
      tpu.vector_store_idx %arg11[%shift_right_arithmetic3A_188, %and3A_191], %broadcast_in_dim3A_193 {add = true} : memref<80x128xf32, #tpu.memory_space<vmem>>[vector<16xi32>, vector<16xi32>], vector<16xf32>,
      %get3A_194 = arith.index_cast %mul3A_183 : i32 to index
      %get3A_195 = tpu.vector_load %arg7[%get3A_194] {strides = array<i32>} : memref<10000xi32, #tpu.memory_space<vmem>>, vector<16xi32>,
      %shift_right_arithmetic3A_196 = arith.constant 7 : i32
      %shift_right_arithmetic3A_197 = vector.broadcast %shift_right_arithmetic3A_196 : i32 to vector<16xi32>
      %shift_right_arithmetic3A_198 = arith.shrsi %get3A_195, %shift_right_arithmetic3A_197 : vector<16xi32>
      %and3A_199 = arith.constant 127 : i32
      %and3A_200 = vector.broadcast %and3A_199 : i32 to vector<16xi32>
      %and3A_201 = arith.andi %get3A_195, %and3A_200 : vector<16xi32>
      %broadcast_in_dim3A_202 = arith.constant 1.000000e+00 : f32
      %broadcast_in_dim3A_203 = vector.broadcast %broadcast_in_dim3A_202 : f32 to vector<16xf32>
      tpu.vector_store_idx %arg11[%shift_right_arithmetic3A_198, %and3A_201], %broadcast_in_dim3A_203 {add = true} : memref<80x128xf32, #tpu.memory_space<vmem>>[vector<16xi32>, vector<16xi32>], vector<16xf32>,
      %mul3A_204 = arith.constant 5 : i32
      %mul3A_205 = arith.muli %scan3A_127, %mul3A_204 : i32
      %add3A_206 = arith.constant 3 : i32
      %add3A_207 = arith.addi %mul3A_205, %add3A_206 : i32
      %mul3A_208 = arith.constant 16 : i32
      %mul3A_209 = arith.muli %add3A_207, %mul3A_208 : i32
      %get3A_210 = arith.index_cast %mul3A_209 : i32 to index
      %get3A_211 = tpu.vector_load %arg6[%get3A_210] {strides = array<i32>} : memref<10000xi32, #tpu.memory_space<vmem>>, vector<16xi32>,
      %shift_right_arithmetic3A_212 = arith.constant 7 : i32
      %shift_right_arithmetic3A_213 = vector.broadcast %shift_right_arithmetic3A_212 : i32 to vector<16xi32>
      %shift_right_arithmetic3A_214 = arith.shrsi %get3A_211, %shift_right_arithmetic3A_213 : vector<16xi32>
      %and3A_215 = arith.constant 127 : i32
      %and3A_216 = vector.broadcast %and3A_215 : i32 to vector<16xi32>
      %and3A_217 = arith.andi %get3A_211, %and3A_216 : vector<16xi32>
      %broadcast_in_dim3A_218 = arith.constant 1.000000e+00 : f32
      %broadcast_in_dim3A_219 = vector.broadcast %broadcast_in_dim3A_218 : f32 to vector<16xf32>
      tpu.vector_store_idx %arg11[%shift_right_arithmetic3A_214, %and3A_217], %broadcast_in_dim3A_219 {add = true} : memref<80x128xf32, #tpu.memory_space<vmem>>[vector<16xi32>, vector<16xi32>], vector<16xf32>,
      %get3A_220 = arith.index_cast %mul3A_209 : i32 to index
      %get3A_221 = tpu.vector_load %arg7[%get3A_220] {strides = array<i32>} : memref<10000xi32, #tpu.memory_space<vmem>>, vector<16xi32>,
      %shift_right_arithmetic3A_222 = arith.constant 7 : i32
      %shift_right_arithmetic3A_223 = vector.broadcast %shift_right_arithmetic3A_222 : i32 to vector<16xi32>
      %shift_right_arithmetic3A_224 = arith.shrsi %get3A_221, %shift_right_arithmetic3A_223 : vector<16xi32>
      %and3A_225 = arith.constant 127 : i32
      %and3A_226 = vector.broadcast %and3A_225 : i32 to vector<16xi32>
      %and3A_227 = arith.andi %get3A_221, %and3A_226 : vector<16xi32>
      %broadcast_in_dim3A_228 = arith.constant 1.000000e+00 : f32
      %broadcast_in_dim3A_229 = vector.broadcast %broadcast_in_dim3A_228 : f32 to vector<16xf32>
      tpu.vector_store_idx %arg11[%shift_right_arithmetic3A_224, %and3A_227], %broadcast_in_dim3A_229 {add = true} : memref<80x128xf32, #tpu.memory_space<vmem>>[vector<16xi32>, vector<16xi32>], vector<16xf32>,
      %mul3A_230 = arith.constant 5 : i32
      %mul3A_231 = arith.muli %scan3A_127, %mul3A_230 : i32
      %add3A_232 = arith.constant 4 : i32
      %add3A_233 = arith.addi %mul3A_231, %add3A_232 : i32
      %mul3A_234 = arith.constant 16 : i32
      %mul3A_235 = arith.muli %add3A_233, %mul3A_234 : i32
      %get3A_236 = arith.index_cast %mul3A_235 : i32 to index
      %get3A_237 = tpu.vector_load %arg6[%get3A_236] {strides = array<i32>} : memref<10000xi32, #tpu.memory_space<vmem>>, vector<16xi32>,
      %shift_right_arithmetic3A_238 = arith.constant 7 : i32
      %shift_right_arithmetic3A_239 = vector.broadcast %shift_right_arithmetic3A_238 : i32 to vector<16xi32>
      %shift_right_arithmetic3A_240 = arith.shrsi %get3A_237, %shift_right_arithmetic3A_239 : vector<16xi32>
      %and3A_241 = arith.constant 127 : i32
      %and3A_242 = vector.broadcast %and3A_241 : i32 to vector<16xi32>
      %and3A_243 = arith.andi %get3A_237, %and3A_242 : vector<16xi32>
      %broadcast_in_dim3A_244 = arith.constant 1.000000e+00 : f32
      %broadcast_in_dim3A_245 = vector.broadcast %broadcast_in_dim3A_244 : f32 to vector<16xf32>
      tpu.vector_store_idx %arg11[%shift_right_arithmetic3A_240, %and3A_243], %broadcast_in_dim3A_245 {add = true} : memref<80x128xf32, #tpu.memory_space<vmem>>[vector<16xi32>, vector<16xi32>], vector<16xf32>,
      %get3A_246 = arith.index_cast %mul3A_235 : i32 to index
      %get3A_247 = tpu.vector_load %arg7[%get3A_246] {strides = array<i32>} : memref<10000xi32, #tpu.memory_space<vmem>>, vector<16xi32>,
      %shift_right_arithmetic3A_248 = arith.constant 7 : i32
      %shift_right_arithmetic3A_249 = vector.broadcast %shift_right_arithmetic3A_248 : i32 to vector<16xi32>
      %shift_right_arithmetic3A_250 = arith.shrsi %get3A_247, %shift_right_arithmetic3A_249 : vector<16xi32>
      %and3A_251 = arith.constant 127 : i32
      %and3A_252 = vector.broadcast %and3A_251 : i32 to vector<16xi32>
      %and3A_253 = arith.andi %get3A_247, %and3A_252 : vector<16xi32>
      %broadcast_in_dim3A_254 = arith.constant 1.000000e+00 : f32
      %broadcast_in_dim3A_255 = vector.broadcast %broadcast_in_dim3A_254 : f32 to vector<16xf32>
      tpu.vector_store_idx %arg11[%shift_right_arithmetic3A_250, %and3A_253], %broadcast_in_dim3A_255 {add = true} : memref<80x128xf32, #tpu.memory_space<vmem>>[vector<16xi32>, vector<16xi32>], vector<16xf32>,
      %scan3A_256 = arith.constant 0 : i32
      scf.yield %scan3A_256 : i32
    }
    %scan3A_52 = arith.constant 125 : i32
    "tpu.trace_stop"() : () -> ()
    %mul3A_53 = arith.constant 10000 : i32
    %mul3A_54 = arith.muli %add3A, %mul3A_53 : i32
    %dma_start3A_55 = tpu.memref_slice %arg2[%mul3A_54] : memref<640000xi32, #tpu.memory_space<hbm>> -> memref<10000xi32, #tpu.memory_space<hbm>>
    %dma_start3A_56 = tpu.memref_slice %arg2[%mul3A_54] : memref<640000xi32, #tpu.memory_space<hbm>> -> memref<10000xi32, #tpu.memory_space<hbm>>
    tpu.enqueue_dma source(%dma_start3A_56 : memref<10000xi32, #tpu.memory_space<hbm>>) target(%arg6 : memref<10000xi32, #tpu.memory_space<vmem>>) target_semaphore(%arg16 : memref<!tpu.dma_semaphore, #tpu.memory_space<semaphore_mem>>)
    %mul3A_57 = arith.constant 10000 : i32
    %mul3A_58 = arith.muli %add3A, %mul3A_57 : i32
    %add3A_59 = arith.constant 320000 : i32
    %add3A_60 = arith.addi %add3A_59, %mul3A_58 : i32
    %dma_start3A_61 = tpu.memref_slice %arg2[%add3A_60] : memref<640000xi32, #tpu.memory_space<hbm>> -> memref<10000xi32, #tpu.memory_space<hbm>>
    %dma_start3A_62 = tpu.memref_slice %arg2[%add3A_60] : memref<640000xi32, #tpu.memory_space<hbm>> -> memref<10000xi32, #tpu.memory_space<hbm>>
    tpu.enqueue_dma source(%dma_start3A_62 : memref<10000xi32, #tpu.memory_space<hbm>>) target(%arg7 : memref<10000xi32, #tpu.memory_space<vmem>>) target_semaphore(%arg16 : memref<!tpu.dma_semaphore, #tpu.memory_space<semaphore_mem>>)
    "tpu.trace_start"() <{level = 10 : i32, message = "p1_reduce"}> : () -> ()
    "tpu.region"() ({
      %run_scoped3A = tpu.sem_alloc : memref<!tpu.dma_semaphore, #tpu.memory_space<semaphore_mem>>
      %dma_start3A_127 = arith.constant 0 : i32
      %dma_start3A_128 = arith.constant 0 : i32
      %dma_start3A_129 = tpu.memref_slice %arg17[%dma_start3A_127, %dma_start3A_128] : memref<80x128xf32, #tpu.memory_space<vmem_shared>> -> memref<80x128xf32, #tpu.memory_space<vmem_shared>>
      tpu.enqueue_indirect_dma source(%arg11 : memref<80x128xf32, #tpu.memory_space<vmem>>) target(%dma_start3A_129 : memref<80x128xf32, #tpu.memory_space<vmem_shared>>) offsets(%arg13 : memref<80xi32, #tpu.memory_space<vmem>>) semaphore(%run_scoped3A : memref<!tpu.dma_semaphore, #tpu.memory_space<semaphore_mem>>) {add = true}
      %dma_wait3A_130 = arith.constant 0 : i32
      %dma_wait3A_131 = arith.constant 0 : i32
      %dma_wait3A_132 = tpu.memref_slice %arg17[%dma_wait3A_130, %dma_wait3A_131] : memref<80x128xf32, #tpu.memory_space<vmem_shared>> -> memref<80x128xf32, #tpu.memory_space<vmem_shared>>
      tpu.wait_indirect_dma semaphore(%run_scoped3A : memref<!tpu.dma_semaphore, #tpu.memory_space<semaphore_mem>>) src(%arg11 : memref<80x128xf32, #tpu.memory_space<vmem>>) dst(%dma_wait3A_132 : memref<80x128xf32, #tpu.memory_space<vmem_shared>>)
      tpu.yield
    }) : () -> ()
    %barrier3A_63 = arith.constant 0 : index
    tpu.barrier barrier_id(%barrier3A_63)
    "tpu.trace_stop"() : () -> ()
    "tpu.trace_start"() <{level = 10 : i32, message = "p2_bcast"}> : () -> ()
    "tpu.region"() ({
      %run_scoped3A = tpu.sem_alloc : memref<!tpu.dma_semaphore, #tpu.memory_space<semaphore_mem>>
      tpu.enqueue_dma source(%arg17 : memref<80x128xf32, #tpu.memory_space<vmem_shared>>) target(%arg8 : memref<80x128xf32, #tpu.memory_space<vmem>>) target_semaphore(%run_scoped3A : memref<!tpu.dma_semaphore, #tpu.memory_space<semaphore_mem>>)
      tpu.wait_dma2 semaphore(%run_scoped3A : memref<!tpu.dma_semaphore, #tpu.memory_space<semaphore_mem>>) src(%arg17 : memref<80x128xf32, #tpu.memory_space<vmem_shared>>) dst(%arg8 : memref<80x128xf32, #tpu.memory_space<vmem>>)
      tpu.yield
    }) : () -> ()
    %dma_wait3A_64 = arith.constant 0 : i32
    %dma_wait3A_65 = arith.constant 0 : i32
    %dma_wait3A_66 = arith.constant 0 : i32
    %dma_wait3A_67 = tpu.memref_slice %arg3[%dma_wait3A_64, %dma_wait3A_65, %dma_wait3A_66] : memref<8x80x128xf32, #tpu.memory_space<hbm>> -> memref<1x80x128xf32, #tpu.memory_space<hbm>>
    %dma_wait3A_68 = tpu.memref_squeeze %dma_wait3A_67 : memref<1x80x128xf32, #tpu.memory_space<hbm>> -> memref<80x128xf32, #tpu.memory_space<hbm>>
    %dma_wait3A_69 = arith.constant 0 : i32
    %dma_wait3A_70 = arith.constant 0 : i32
    %dma_wait3A_71 = tpu.memref_slice %arg3[%dma_wait3A_64, %dma_wait3A_69, %dma_wait3A_70] : memref<8x80x128xf32, #tpu.memory_space<hbm>> -> memref<1x80x128xf32, #tpu.memory_space<hbm>>
    %dma_wait3A_72 = tpu.memref_squeeze %dma_wait3A_71 : memref<1x80x128xf32, #tpu.memory_space<hbm>> -> memref<80x128xf32, #tpu.memory_space<hbm>>
    tpu.wait_dma2 semaphore(%arg15 : memref<!tpu.dma_semaphore, #tpu.memory_space<semaphore_mem>>) src(%dma_wait3A_72 : memref<80x128xf32, #tpu.memory_space<hbm>>) dst(%arg9 : memref<80x128xf32, #tpu.memory_space<vmem>>)
    %dma_wait3A_73 = arith.constant 1 : i32
    %dma_wait3A_74 = arith.constant 0 : i32
    %dma_wait3A_75 = arith.constant 0 : i32
    %dma_wait3A_76 = tpu.memref_slice %arg3[%dma_wait3A_73, %dma_wait3A_74, %dma_wait3A_75] : memref<8x80x128xf32, #tpu.memory_space<hbm>> -> memref<1x80x128xf32, #tpu.memory_space<hbm>>
    %dma_wait3A_77 = tpu.memref_squeeze %dma_wait3A_76 : memref<1x80x128xf32, #tpu.memory_space<hbm>> -> memref<80x128xf32, #tpu.memory_space<hbm>>
    %dma_wait3A_78 = arith.constant 0 : i32
    %dma_wait3A_79 = arith.constant 0 : i32
    %dma_wait3A_80 = tpu.memref_slice %arg3[%dma_wait3A_73, %dma_wait3A_78, %dma_wait3A_79] : memref<8x80x128xf32, #tpu.memory_space<hbm>> -> memref<1x80x128xf32, #tpu.memory_space<hbm>>
    %dma_wait3A_81 = tpu.memref_squeeze %dma_wait3A_80 : memref<1x80x128xf32, #tpu.memory_space<hbm>> -> memref<80x128xf32, #tpu.memory_space<hbm>>
    tpu.wait_dma2 semaphore(%arg15 : memref<!tpu.dma_semaphore, #tpu.memory_space<semaphore_mem>>) src(%dma_wait3A_81 : memref<80x128xf32, #tpu.memory_space<hbm>>) dst(%arg10 : memref<80x128xf32, #tpu.memory_space<vmem>>)
    "tpu.trace_stop"() : () -> ()
    "tpu.trace_start"() <{level = 10 : i32, message = "p2_dis"}> : () -> ()
    %scan3A_82 = arith.constant 0 : i32
    %scan3A_83 = arith.constant 0 : i32
    %scan3A_84 = arith.constant 80 : i32
    %scan3A_85 = arith.addi %scan3A_83, %scan3A_84 : i32
    %scan3A_86 = arith.constant 1 : i32
    %scan3A_87 = scf.for %scan3A_127 = %scan3A_83 to %scan3A_85 step %scan3A_86 iter_args(%scan3A_128 = %scan3A_82) -> (i32)  : i32 {
      %get3A = arith.index_cast %scan3A_127 : i32 to index
      %get3A_129 = arith.constant 0 : index
      %get3A_130 = tpu.vector_load %arg8[%get3A, %get3A_129] {strides = array<i32>} : memref<80x128xf32, #tpu.memory_space<vmem>>, vector<16xf32>,
      %add3A_131 = arith.constant 1.000000e+00 : f32
      %add3A_132 = vector.broadcast %add3A_131 : f32 to vector<16xf32>
      %add3A_133 = arith.addf %get3A_130, %add3A_132 : vector<16xf32>
      %bitcast_convert_type3A = tpu.bitcast %add3A_133 : vector<16xf32> -> vector<16xi32>
      %shift_right_arithmetic3A = arith.constant 1 : i32
      %shift_right_arithmetic3A_134 = vector.broadcast %shift_right_arithmetic3A : i32 to vector<16xi32>
      %shift_right_arithmetic3A_135 = arith.shrsi %bitcast_convert_type3A, %shift_right_arithmetic3A_134 : vector<16xi32>
      %sub3A = arith.constant 1597463007 : i32
      %sub3A_136 = vector.broadcast %sub3A : i32 to vector<16xi32>
      %sub3A_137 = arith.subi %sub3A_136, %shift_right_arithmetic3A_135 : vector<16xi32>
      %bitcast_convert_type3A_138 = tpu.bitcast %sub3A_137 : vector<16xi32> -> vector<16xf32>
      %mul3A_139 = arith.constant -5.000000e-01 : f32
      %mul3A_140 = vector.broadcast %mul3A_139 : f32 to vector<16xf32>
      %mul3A_141 = arith.mulf %add3A_133, %mul3A_140 : vector<16xf32>
      %mul3A_142 = arith.mulf %mul3A_141, %bitcast_convert_type3A_138 : vector<16xf32>
      %mul3A_143 = arith.mulf %mul3A_142, %bitcast_convert_type3A_138 : vector<16xf32>
      %add3A_144 = arith.constant 1.500000e+00 : f32
      %add3A_145 = vector.broadcast %add3A_144 : f32 to vector<16xf32>
      %add3A_146 = arith.addf %add3A_145, %mul3A_143 : vector<16xf32>
      %mul3A_147 = arith.mulf %bitcast_convert_type3A_138, %add3A_146 : vector<16xf32>
      %mul3A_148 = arith.mulf %mul3A_141, %mul3A_147 : vector<16xf32>
      %mul3A_149 = arith.mulf %mul3A_148, %mul3A_147 : vector<16xf32>
      %add3A_150 = arith.constant 1.500000e+00 : f32
      %add3A_151 = vector.broadcast %add3A_150 : f32 to vector<16xf32>
      %add3A_152 = arith.addf %add3A_151, %mul3A_149 : vector<16xf32>
      %mul3A_153 = arith.mulf %mul3A_147, %add3A_152 : vector<16xf32>
      %mul3A_154 = arith.mulf %mul3A_141, %mul3A_153 : vector<16xf32>
      %mul3A_155 = arith.mulf %mul3A_154, %mul3A_153 : vector<16xf32>
      %add3A_156 = arith.constant 1.500000e+00 : f32
      %add3A_157 = vector.broadcast %add3A_156 : f32 to vector<16xf32>
      %add3A_158 = arith.addf %add3A_157, %mul3A_155 : vector<16xf32>
      %mul3A_159 = arith.mulf %mul3A_153, %add3A_158 : vector<16xf32>
      %swap3A = arith.index_cast %scan3A_127 : i32 to index
      %swap3A_160 = arith.constant 0 : index
      %swap3A_161 = tpu.vector_load %arg8[%swap3A, %swap3A_160] {strides = array<i32>} : memref<80x128xf32, #tpu.memory_space<vmem>>, vector<16xf32>,
      tpu.vector_store %arg8[%swap3A, %swap3A_160], %mul3A_159 {strides = array<i32>} : memref<80x128xf32, #tpu.memory_space<vmem>>, vector<16xf32>,
      %get3A_162 = arith.index_cast %scan3A_127 : i32 to index
      %get3A_163 = arith.constant 0 : index
      %get3A_164 = tpu.vector_load %arg9[%get3A_162, %get3A_163] {strides = array<i32>} : memref<80x128xf32, #tpu.memory_space<vmem>>, vector<16xf32>,
      %mul3A_165 = arith.mulf %get3A_164, %mul3A_159 : vector<16xf32>
      %swap3A_166 = arith.index_cast %scan3A_127 : i32 to index
      %swap3A_167 = arith.constant 0 : index
      %swap3A_168 = tpu.vector_load %arg9[%swap3A_166, %swap3A_167] {strides = array<i32>} : memref<80x128xf32, #tpu.memory_space<vmem>>, vector<16xf32>,
      tpu.vector_store %arg9[%swap3A_166, %swap3A_167], %mul3A_165 {strides = array<i32>} : memref<80x128xf32, #tpu.memory_space<vmem>>, vector<16xf32>,
      %get3A_169 = arith.index_cast %scan3A_127 : i32 to index
      %get3A_170 = arith.constant 0 : index
      %get3A_171 = tpu.vector_load %arg10[%get3A_169, %get3A_170] {strides = array<i32>} : memref<80x128xf32, #tpu.memory_space<vmem>>, vector<16xf32>,
      %mul3A_172 = arith.mulf %get3A_171, %mul3A_159 : vector<16xf32>
      %swap3A_173 = arith.index_cast %scan3A_127 : i32 to index
      %swap3A_174 = arith.constant 0 : index
      %swap3A_175 = tpu.vector_load %arg10[%swap3A_173, %swap3A_174] {strides = array<i32>} : memref<80x128xf32, #tpu.memory_space<vmem>>, vector<16xf32>,
      tpu.vector_store %arg10[%swap3A_173, %swap3A_174], %mul3A_172 {strides = array<i32>} : memref<80x128xf32, #tpu.memory_space<vmem>>, vector<16xf32>,
      %get3A_176 = arith.index_cast %scan3A_127 : i32 to index
      %get3A_177 = arith.constant 16 : index
      %get3A_178 = tpu.vector_load %arg8[%get3A_176, %get3A_177] {strides = array<i32>} : memref<80x128xf32, #tpu.memory_space<vmem>>, vector<16xf32>,
      %add3A_179 = arith.constant 1.000000e+00 : f32
      %add3A_180 = vector.broadcast %add3A_179 : f32 to vector<16xf32>
      %add3A_181 = arith.addf %get3A_178, %add3A_180 : vector<16xf32>
      %bitcast_convert_type3A_182 = tpu.bitcast %add3A_181 : vector<16xf32> -> vector<16xi32>
      %shift_right_arithmetic3A_183 = arith.constant 1 : i32
      %shift_right_arithmetic3A_184 = vector.broadcast %shift_right_arithmetic3A_183 : i32 to vector<16xi32>
      %shift_right_arithmetic3A_185 = arith.shrsi %bitcast_convert_type3A_182, %shift_right_arithmetic3A_184 : vector<16xi32>
      %sub3A_186 = arith.constant 1597463007 : i32
      %sub3A_187 = vector.broadcast %sub3A_186 : i32 to vector<16xi32>
      %sub3A_188 = arith.subi %sub3A_187, %shift_right_arithmetic3A_185 : vector<16xi32>
      %bitcast_convert_type3A_189 = tpu.bitcast %sub3A_188 : vector<16xi32> -> vector<16xf32>
      %mul3A_190 = arith.constant -5.000000e-01 : f32
      %mul3A_191 = vector.broadcast %mul3A_190 : f32 to vector<16xf32>
      %mul3A_192 = arith.mulf %add3A_181, %mul3A_191 : vector<16xf32>
      %mul3A_193 = arith.mulf %mul3A_192, %bitcast_convert_type3A_189 : vector<16xf32>
      %mul3A_194 = arith.mulf %mul3A_193, %bitcast_convert_type3A_189 : vector<16xf32>
      %add3A_195 = arith.constant 1.500000e+00 : f32
      %add3A_196 = vector.broadcast %add3A_195 : f32 to vector<16xf32>
      %add3A_197 = arith.addf %add3A_196, %mul3A_194 : vector<16xf32>
      %mul3A_198 = arith.mulf %bitcast_convert_type3A_189, %add3A_197 : vector<16xf32>
      %mul3A_199 = arith.mulf %mul3A_192, %mul3A_198 : vector<16xf32>
      %mul3A_200 = arith.mulf %mul3A_199, %mul3A_198 : vector<16xf32>
      %add3A_201 = arith.constant 1.500000e+00 : f32
      %add3A_202 = vector.broadcast %add3A_201 : f32 to vector<16xf32>
      %add3A_203 = arith.addf %add3A_202, %mul3A_200 : vector<16xf32>
      %mul3A_204 = arith.mulf %mul3A_198, %add3A_203 : vector<16xf32>
      %mul3A_205 = arith.mulf %mul3A_192, %mul3A_204 : vector<16xf32>
      %mul3A_206 = arith.mulf %mul3A_205, %mul3A_204 : vector<16xf32>
      %add3A_207 = arith.constant 1.500000e+00 : f32
      %add3A_208 = vector.broadcast %add3A_207 : f32 to vector<16xf32>
      %add3A_209 = arith.addf %add3A_208, %mul3A_206 : vector<16xf32>
      %mul3A_210 = arith.mulf %mul3A_204, %add3A_209 : vector<16xf32>
      %swap3A_211 = arith.index_cast %scan3A_127 : i32 to index
      %swap3A_212 = arith.constant 16 : index
      %swap3A_213 = tpu.vector_load %arg8[%swap3A_211, %swap3A_212] {strides = array<i32>} : memref<80x128xf32, #tpu.memory_space<vmem>>, vector<16xf32>,
      tpu.vector_store %arg8[%swap3A_211, %swap3A_212], %mul3A_210 {strides = array<i32>} : memref<80x128xf32, #tpu.memory_space<vmem>>, vector<16xf32>,
      %get3A_214 = arith.index_cast %scan3A_127 : i32 to index
      %get3A_215 = arith.constant 16 : index
      %get3A_216 = tpu.vector_load %arg9[%get3A_214, %get3A_215] {strides = array<i32>} : memref<80x128xf32, #tpu.memory_space<vmem>>, vector<16xf32>,
      %mul3A_217 = arith.mulf %get3A_216, %mul3A_210 : vector<16xf32>
      %swap3A_218 = arith.index_cast %scan3A_127 : i32 to index
      %swap3A_219 = arith.constant 16 : index
      %swap3A_220 = tpu.vector_load %arg9[%swap3A_218, %swap3A_219] {strides = array<i32>} : memref<80x128xf32, #tpu.memory_space<vmem>>, vector<16xf32>,
      tpu.vector_store %arg9[%swap3A_218, %swap3A_219], %mul3A_217 {strides = array<i32>} : memref<80x128xf32, #tpu.memory_space<vmem>>, vector<16xf32>,
      %get3A_221 = arith.index_cast %scan3A_127 : i32 to index
      %get3A_222 = arith.constant 16 : index
      %get3A_223 = tpu.vector_load %arg10[%get3A_221, %get3A_222] {strides = array<i32>} : memref<80x128xf32, #tpu.memory_space<vmem>>, vector<16xf32>,
      %mul3A_224 = arith.mulf %get3A_223, %mul3A_210 : vector<16xf32>
      %swap3A_225 = arith.index_cast %scan3A_127 : i32 to index
      %swap3A_226 = arith.constant 16 : index
      %swap3A_227 = tpu.vector_load %arg10[%swap3A_225, %swap3A_226] {strides = array<i32>} : memref<80x128xf32, #tpu.memory_space<vmem>>, vector<16xf32>,
      tpu.vector_store %arg10[%swap3A_225, %swap3A_226], %mul3A_224 {strides = array<i32>} : memref<80x128xf32, #tpu.memory_space<vmem>>, vector<16xf32>,
      %get3A_228 = arith.index_cast %scan3A_127 : i32 to index
      %get3A_229 = arith.constant 32 : index
      %get3A_230 = tpu.vector_load %arg8[%get3A_228, %get3A_229] {strides = array<i32>} : memref<80x128xf32, #tpu.memory_space<vmem>>, vector<16xf32>,
      %add3A_231 = arith.constant 1.000000e+00 : f32
      %add3A_232 = vector.broadcast %add3A_231 : f32 to vector<16xf32>
      %add3A_233 = arith.addf %get3A_230, %add3A_232 : vector<16xf32>
      %bitcast_convert_type3A_234 = tpu.bitcast %add3A_233 : vector<16xf32> -> vector<16xi32>
      %shift_right_arithmetic3A_235 = arith.constant 1 : i32
      %shift_right_arithmetic3A_236 = vector.broadcast %shift_right_arithmetic3A_235 : i32 to vector<16xi32>
      %shift_right_arithmetic3A_237 = arith.shrsi %bitcast_convert_type3A_234, %shift_right_arithmetic3A_236 : vector<16xi32>
      %sub3A_238 = arith.constant 1597463007 : i32
      %sub3A_239 = vector.broadcast %sub3A_238 : i32 to vector<16xi32>
      %sub3A_240 = arith.subi %sub3A_239, %shift_right_arithmetic3A_237 : vector<16xi32>
      %bitcast_convert_type3A_241 = tpu.bitcast %sub3A_240 : vector<16xi32> -> vector<16xf32>
      %mul3A_242 = arith.constant -5.000000e-01 : f32
      %mul3A_243 = vector.broadcast %mul3A_242 : f32 to vector<16xf32>
      %mul3A_244 = arith.mulf %add3A_233, %mul3A_243 : vector<16xf32>
      %mul3A_245 = arith.mulf %mul3A_244, %bitcast_convert_type3A_241 : vector<16xf32>
      %mul3A_246 = arith.mulf %mul3A_245, %bitcast_convert_type3A_241 : vector<16xf32>
      %add3A_247 = arith.constant 1.500000e+00 : f32
      %add3A_248 = vector.broadcast %add3A_247 : f32 to vector<16xf32>
      %add3A_249 = arith.addf %add3A_248, %mul3A_246 : vector<16xf32>
      %mul3A_250 = arith.mulf %bitcast_convert_type3A_241, %add3A_249 : vector<16xf32>
      %mul3A_251 = arith.mulf %mul3A_244, %mul3A_250 : vector<16xf32>
      %mul3A_252 = arith.mulf %mul3A_251, %mul3A_250 : vector<16xf32>
      %add3A_253 = arith.constant 1.500000e+00 : f32
      %add3A_254 = vector.broadcast %add3A_253 : f32 to vector<16xf32>
      %add3A_255 = arith.addf %add3A_254, %mul3A_252 : vector<16xf32>
      %mul3A_256 = arith.mulf %mul3A_250, %add3A_255 : vector<16xf32>
      %mul3A_257 = arith.mulf %mul3A_244, %mul3A_256 : vector<16xf32>
      %mul3A_258 = arith.mulf %mul3A_257, %mul3A_256 : vector<16xf32>
      %add3A_259 = arith.constant 1.500000e+00 : f32
      %add3A_260 = vector.broadcast %add3A_259 : f32 to vector<16xf32>
      %add3A_261 = arith.addf %add3A_260, %mul3A_258 : vector<16xf32>
      %mul3A_262 = arith.mulf %mul3A_256, %add3A_261 : vector<16xf32>
      %swap3A_263 = arith.index_cast %scan3A_127 : i32 to index
      %swap3A_264 = arith.constant 32 : index
      %swap3A_265 = tpu.vector_load %arg8[%swap3A_263, %swap3A_264] {strides = array<i32>} : memref<80x128xf32, #tpu.memory_space<vmem>>, vector<16xf32>,
      tpu.vector_store %arg8[%swap3A_263, %swap3A_264], %mul3A_262 {strides = array<i32>} : memref<80x128xf32, #tpu.memory_space<vmem>>, vector<16xf32>,
      %get3A_266 = arith.index_cast %scan3A_127 : i32 to index
      %get3A_267 = arith.constant 32 : index
      %get3A_268 = tpu.vector_load %arg9[%get3A_266, %get3A_267] {strides = array<i32>} : memref<80x128xf32, #tpu.memory_space<vmem>>, vector<16xf32>,
      %mul3A_269 = arith.mulf %get3A_268, %mul3A_262 : vector<16xf32>
      %swap3A_270 = arith.index_cast %scan3A_127 : i32 to index
      %swap3A_271 = arith.constant 32 : index
      %swap3A_272 = tpu.vector_load %arg9[%swap3A_270, %swap3A_271] {strides = array<i32>} : memref<80x128xf32, #tpu.memory_space<vmem>>, vector<16xf32>,
      tpu.vector_store %arg9[%swap3A_270, %swap3A_271], %mul3A_269 {strides = array<i32>} : memref<80x128xf32, #tpu.memory_space<vmem>>, vector<16xf32>,
      %get3A_273 = arith.index_cast %scan3A_127 : i32 to index
      %get3A_274 = arith.constant 32 : index
      %get3A_275 = tpu.vector_load %arg10[%get3A_273, %get3A_274] {strides = array<i32>} : memref<80x128xf32, #tpu.memory_space<vmem>>, vector<16xf32>,
      %mul3A_276 = arith.mulf %get3A_275, %mul3A_262 : vector<16xf32>
      %swap3A_277 = arith.index_cast %scan3A_127 : i32 to index
      %swap3A_278 = arith.constant 32 : index
      %swap3A_279 = tpu.vector_load %arg10[%swap3A_277, %swap3A_278] {strides = array<i32>} : memref<80x128xf32, #tpu.memory_space<vmem>>, vector<16xf32>,
      tpu.vector_store %arg10[%swap3A_277, %swap3A_278], %mul3A_276 {strides = array<i32>} : memref<80x128xf32, #tpu.memory_space<vmem>>, vector<16xf32>,
      %get3A_280 = arith.index_cast %scan3A_127 : i32 to index
      %get3A_281 = arith.constant 48 : index
      %get3A_282 = tpu.vector_load %arg8[%get3A_280, %get3A_281] {strides = array<i32>} : memref<80x128xf32, #tpu.memory_space<vmem>>, vector<16xf32>,
      %add3A_283 = arith.constant 1.000000e+00 : f32
      %add3A_284 = vector.broadcast %add3A_283 : f32 to vector<16xf32>
      %add3A_285 = arith.addf %get3A_282, %add3A_284 : vector<16xf32>
      %bitcast_convert_type3A_286 = tpu.bitcast %add3A_285 : vector<16xf32> -> vector<16xi32>
      %shift_right_arithmetic3A_287 = arith.constant 1 : i32
      %shift_right_arithmetic3A_288 = vector.broadcast %shift_right_arithmetic3A_287 : i32 to vector<16xi32>
      %shift_right_arithmetic3A_289 = arith.shrsi %bitcast_convert_type3A_286, %shift_right_arithmetic3A_288 : vector<16xi32>
      %sub3A_290 = arith.constant 1597463007 : i32
      %sub3A_291 = vector.broadcast %sub3A_290 : i32 to vector<16xi32>
      %sub3A_292 = arith.subi %sub3A_291, %shift_right_arithmetic3A_289 : vector<16xi32>
      %bitcast_convert_type3A_293 = tpu.bitcast %sub3A_292 : vector<16xi32> -> vector<16xf32>
      %mul3A_294 = arith.constant -5.000000e-01 : f32
      %mul3A_295 = vector.broadcast %mul3A_294 : f32 to vector<16xf32>
      %mul3A_296 = arith.mulf %add3A_285, %mul3A_295 : vector<16xf32>
      %mul3A_297 = arith.mulf %mul3A_296, %bitcast_convert_type3A_293 : vector<16xf32>
      %mul3A_298 = arith.mulf %mul3A_297, %bitcast_convert_type3A_293 : vector<16xf32>
      %add3A_299 = arith.constant 1.500000e+00 : f32
      %add3A_300 = vector.broadcast %add3A_299 : f32 to vector<16xf32>
      %add3A_301 = arith.addf %add3A_300, %mul3A_298 : vector<16xf32>
      %mul3A_302 = arith.mulf %bitcast_convert_type3A_293, %add3A_301 : vector<16xf32>
      %mul3A_303 = arith.mulf %mul3A_296, %mul3A_302 : vector<16xf32>
      %mul3A_304 = arith.mulf %mul3A_303, %mul3A_302 : vector<16xf32>
      %add3A_305 = arith.constant 1.500000e+00 : f32
      %add3A_306 = vector.broadcast %add3A_305 : f32 to vector<16xf32>
      %add3A_307 = arith.addf %add3A_306, %mul3A_304 : vector<16xf32>
      %mul3A_308 = arith.mulf %mul3A_302, %add3A_307 : vector<16xf32>
      %mul3A_309 = arith.mulf %mul3A_296, %mul3A_308 : vector<16xf32>
      %mul3A_310 = arith.mulf %mul3A_309, %mul3A_308 : vector<16xf32>
      %add3A_311 = arith.constant 1.500000e+00 : f32
      %add3A_312 = vector.broadcast %add3A_311 : f32 to vector<16xf32>
      %add3A_313 = arith.addf %add3A_312, %mul3A_310 : vector<16xf32>
      %mul3A_314 = arith.mulf %mul3A_308, %add3A_313 : vector<16xf32>
      %swap3A_315 = arith.index_cast %scan3A_127 : i32 to index
      %swap3A_316 = arith.constant 48 : index
      %swap3A_317 = tpu.vector_load %arg8[%swap3A_315, %swap3A_316] {strides = array<i32>} : memref<80x128xf32, #tpu.memory_space<vmem>>, vector<16xf32>,
      tpu.vector_store %arg8[%swap3A_315, %swap3A_316], %mul3A_314 {strides = array<i32>} : memref<80x128xf32, #tpu.memory_space<vmem>>, vector<16xf32>,
      %get3A_318 = arith.index_cast %scan3A_127 : i32 to index
      %get3A_319 = arith.constant 48 : index
      %get3A_320 = tpu.vector_load %arg9[%get3A_318, %get3A_319] {strides = array<i32>} : memref<80x128xf32, #tpu.memory_space<vmem>>, vector<16xf32>,
      %mul3A_321 = arith.mulf %get3A_320, %mul3A_314 : vector<16xf32>
      %swap3A_322 = arith.index_cast %scan3A_127 : i32 to index
      %swap3A_323 = arith.constant 48 : index
      %swap3A_324 = tpu.vector_load %arg9[%swap3A_322, %swap3A_323] {strides = array<i32>} : memref<80x128xf32, #tpu.memory_space<vmem>>, vector<16xf32>,
      tpu.vector_store %arg9[%swap3A_322, %swap3A_323], %mul3A_321 {strides = array<i32>} : memref<80x128xf32, #tpu.memory_space<vmem>>, vector<16xf32>,
      %get3A_325 = arith.index_cast %scan3A_127 : i32 to index
      %get3A_326 = arith.constant 48 : index
      %get3A_327 = tpu.vector_load %arg10[%get3A_325, %get3A_326] {strides = array<i32>} : memref<80x128xf32, #tpu.memory_space<vmem>>, vector<16xf32>,
      %mul3A_328 = arith.mulf %get3A_327, %mul3A_314 : vector<16xf32>
      %swap3A_329 = arith.index_cast %scan3A_127 : i32 to index
      %swap3A_330 = arith.constant 48 : index
      %swap3A_331 = tpu.vector_load %arg10[%swap3A_329, %swap3A_330] {strides = array<i32>} : memref<80x128xf32, #tpu.memory_space<vmem>>, vector<16xf32>,
      tpu.vector_store %arg10[%swap3A_329, %swap3A_330], %mul3A_328 {strides = array<i32>} : memref<80x128xf32, #tpu.memory_space<vmem>>, vector<16xf32>,
      %get3A_332 = arith.index_cast %scan3A_127 : i32 to index
      %get3A_333 = arith.constant 64 : index
      %get3A_334 = tpu.vector_load %arg8[%get3A_332, %get3A_333] {strides = array<i32>} : memref<80x128xf32, #tpu.memory_space<vmem>>, vector<16xf32>,
      %add3A_335 = arith.constant 1.000000e+00 : f32
      %add3A_336 = vector.broadcast %add3A_335 : f32 to vector<16xf32>
      %add3A_337 = arith.addf %get3A_334, %add3A_336 : vector<16xf32>
      %bitcast_convert_type3A_338 = tpu.bitcast %add3A_337 : vector<16xf32> -> vector<16xi32>
      %shift_right_arithmetic3A_339 = arith.constant 1 : i32
      %shift_right_arithmetic3A_340 = vector.broadcast %shift_right_arithmetic3A_339 : i32 to vector<16xi32>
      %shift_right_arithmetic3A_341 = arith.shrsi %bitcast_convert_type3A_338, %shift_right_arithmetic3A_340 : vector<16xi32>
      %sub3A_342 = arith.constant 1597463007 : i32
      %sub3A_343 = vector.broadcast %sub3A_342 : i32 to vector<16xi32>
      %sub3A_344 = arith.subi %sub3A_343, %shift_right_arithmetic3A_341 : vector<16xi32>
      %bitcast_convert_type3A_345 = tpu.bitcast %sub3A_344 : vector<16xi32> -> vector<16xf32>
      %mul3A_346 = arith.constant -5.000000e-01 : f32
      %mul3A_347 = vector.broadcast %mul3A_346 : f32 to vector<16xf32>
      %mul3A_348 = arith.mulf %add3A_337, %mul3A_347 : vector<16xf32>
      %mul3A_349 = arith.mulf %mul3A_348, %bitcast_convert_type3A_345 : vector<16xf32>
      %mul3A_350 = arith.mulf %mul3A_349, %bitcast_convert_type3A_345 : vector<16xf32>
      %add3A_351 = arith.constant 1.500000e+00 : f32
      %add3A_352 = vector.broadcast %add3A_351 : f32 to vector<16xf32>
      %add3A_353 = arith.addf %add3A_352, %mul3A_350 : vector<16xf32>
      %mul3A_354 = arith.mulf %bitcast_convert_type3A_345, %add3A_353 : vector<16xf32>
      %mul3A_355 = arith.mulf %mul3A_348, %mul3A_354 : vector<16xf32>
      %mul3A_356 = arith.mulf %mul3A_355, %mul3A_354 : vector<16xf32>
      %add3A_357 = arith.constant 1.500000e+00 : f32
      %add3A_358 = vector.broadcast %add3A_357 : f32 to vector<16xf32>
      %add3A_359 = arith.addf %add3A_358, %mul3A_356 : vector<16xf32>
      %mul3A_360 = arith.mulf %mul3A_354, %add3A_359 : vector<16xf32>
      %mul3A_361 = arith.mulf %mul3A_348, %mul3A_360 : vector<16xf32>
      %mul3A_362 = arith.mulf %mul3A_361, %mul3A_360 : vector<16xf32>
      %add3A_363 = arith.constant 1.500000e+00 : f32
      %add3A_364 = vector.broadcast %add3A_363 : f32 to vector<16xf32>
      %add3A_365 = arith.addf %add3A_364, %mul3A_362 : vector<16xf32>
      %mul3A_366 = arith.mulf %mul3A_360, %add3A_365 : vector<16xf32>
      %swap3A_367 = arith.index_cast %scan3A_127 : i32 to index
      %swap3A_368 = arith.constant 64 : index
      %swap3A_369 = tpu.vector_load %arg8[%swap3A_367, %swap3A_368] {strides = array<i32>} : memref<80x128xf32, #tpu.memory_space<vmem>>, vector<16xf32>,
      tpu.vector_store %arg8[%swap3A_367, %swap3A_368], %mul3A_366 {strides = array<i32>} : memref<80x128xf32, #tpu.memory_space<vmem>>, vector<16xf32>,
      %get3A_370 = arith.index_cast %scan3A_127 : i32 to index
      %get3A_371 = arith.constant 64 : index
      %get3A_372 = tpu.vector_load %arg9[%get3A_370, %get3A_371] {strides = array<i32>} : memref<80x128xf32, #tpu.memory_space<vmem>>, vector<16xf32>,
      %mul3A_373 = arith.mulf %get3A_372, %mul3A_366 : vector<16xf32>
      %swap3A_374 = arith.index_cast %scan3A_127 : i32 to index
      %swap3A_375 = arith.constant 64 : index
      %swap3A_376 = tpu.vector_load %arg9[%swap3A_374, %swap3A_375] {strides = array<i32>} : memref<80x128xf32, #tpu.memory_space<vmem>>, vector<16xf32>,
      tpu.vector_store %arg9[%swap3A_374, %swap3A_375], %mul3A_373 {strides = array<i32>} : memref<80x128xf32, #tpu.memory_space<vmem>>, vector<16xf32>,
      %get3A_377 = arith.index_cast %scan3A_127 : i32 to index
      %get3A_378 = arith.constant 64 : index
      %get3A_379 = tpu.vector_load %arg10[%get3A_377, %get3A_378] {strides = array<i32>} : memref<80x128xf32, #tpu.memory_space<vmem>>, vector<16xf32>,
      %mul3A_380 = arith.mulf %get3A_379, %mul3A_366 : vector<16xf32>
      %swap3A_381 = arith.index_cast %scan3A_127 : i32 to index
      %swap3A_382 = arith.constant 64 : index
      %swap3A_383 = tpu.vector_load %arg10[%swap3A_381, %swap3A_382] {strides = array<i32>} : memref<80x128xf32, #tpu.memory_space<vmem>>, vector<16xf32>,
      tpu.vector_store %arg10[%swap3A_381, %swap3A_382], %mul3A_380 {strides = array<i32>} : memref<80x128xf32, #tpu.memory_space<vmem>>, vector<16xf32>,
      %get3A_384 = arith.index_cast %scan3A_127 : i32 to index
      %get3A_385 = arith.constant 80 : index
      %get3A_386 = tpu.vector_load %arg8[%get3A_384, %get3A_385] {strides = array<i32>} : memref<80x128xf32, #tpu.memory_space<vmem>>, vector<16xf32>,
      %add3A_387 = arith.constant 1.000000e+00 : f32
      %add3A_388 = vector.broadcast %add3A_387 : f32 to vector<16xf32>
      %add3A_389 = arith.addf %get3A_386, %add3A_388 : vector<16xf32>
      %bitcast_convert_type3A_390 = tpu.bitcast %add3A_389 : vector<16xf32> -> vector<16xi32>
      %shift_right_arithmetic3A_391 = arith.constant 1 : i32
      %shift_right_arithmetic3A_392 = vector.broadcast %shift_right_arithmetic3A_391 : i32 to vector<16xi32>
      %shift_right_arithmetic3A_393 = arith.shrsi %bitcast_convert_type3A_390, %shift_right_arithmetic3A_392 : vector<16xi32>
      %sub3A_394 = arith.constant 1597463007 : i32
      %sub3A_395 = vector.broadcast %sub3A_394 : i32 to vector<16xi32>
      %sub3A_396 = arith.subi %sub3A_395, %shift_right_arithmetic3A_393 : vector<16xi32>
      %bitcast_convert_type3A_397 = tpu.bitcast %sub3A_396 : vector<16xi32> -> vector<16xf32>
      %mul3A_398 = arith.constant -5.000000e-01 : f32
      %mul3A_399 = vector.broadcast %mul3A_398 : f32 to vector<16xf32>
      %mul3A_400 = arith.mulf %add3A_389, %mul3A_399 : vector<16xf32>
      %mul3A_401 = arith.mulf %mul3A_400, %bitcast_convert_type3A_397 : vector<16xf32>
      %mul3A_402 = arith.mulf %mul3A_401, %bitcast_convert_type3A_397 : vector<16xf32>
      %add3A_403 = arith.constant 1.500000e+00 : f32
      %add3A_404 = vector.broadcast %add3A_403 : f32 to vector<16xf32>
      %add3A_405 = arith.addf %add3A_404, %mul3A_402 : vector<16xf32>
      %mul3A_406 = arith.mulf %bitcast_convert_type3A_397, %add3A_405 : vector<16xf32>
      %mul3A_407 = arith.mulf %mul3A_400, %mul3A_406 : vector<16xf32>
      %mul3A_408 = arith.mulf %mul3A_407, %mul3A_406 : vector<16xf32>
      %add3A_409 = arith.constant 1.500000e+00 : f32
      %add3A_410 = vector.broadcast %add3A_409 : f32 to vector<16xf32>
      %add3A_411 = arith.addf %add3A_410, %mul3A_408 : vector<16xf32>
      %mul3A_412 = arith.mulf %mul3A_406, %add3A_411 : vector<16xf32>
      %mul3A_413 = arith.mulf %mul3A_400, %mul3A_412 : vector<16xf32>
      %mul3A_414 = arith.mulf %mul3A_413, %mul3A_412 : vector<16xf32>
      %add3A_415 = arith.constant 1.500000e+00 : f32
      %add3A_416 = vector.broadcast %add3A_415 : f32 to vector<16xf32>
      %add3A_417 = arith.addf %add3A_416, %mul3A_414 : vector<16xf32>
      %mul3A_418 = arith.mulf %mul3A_412, %add3A_417 : vector<16xf32>
      %swap3A_419 = arith.index_cast %scan3A_127 : i32 to index
      %swap3A_420 = arith.constant 80 : index
      %swap3A_421 = tpu.vector_load %arg8[%swap3A_419, %swap3A_420] {strides = array<i32>} : memref<80x128xf32, #tpu.memory_space<vmem>>, vector<16xf32>,
      tpu.vector_store %arg8[%swap3A_419, %swap3A_420], %mul3A_418 {strides = array<i32>} : memref<80x128xf32, #tpu.memory_space<vmem>>, vector<16xf32>,
      %get3A_422 = arith.index_cast %scan3A_127 : i32 to index
      %get3A_423 = arith.constant 80 : index
      %get3A_424 = tpu.vector_load %arg9[%get3A_422, %get3A_423] {strides = array<i32>} : memref<80x128xf32, #tpu.memory_space<vmem>>, vector<16xf32>,
      %mul3A_425 = arith.mulf %get3A_424, %mul3A_418 : vector<16xf32>
      %swap3A_426 = arith.index_cast %scan3A_127 : i32 to index
      %swap3A_427 = arith.constant 80 : index
      %swap3A_428 = tpu.vector_load %arg9[%swap3A_426, %swap3A_427] {strides = array<i32>} : memref<80x128xf32, #tpu.memory_space<vmem>>, vector<16xf32>,
      tpu.vector_store %arg9[%swap3A_426, %swap3A_427], %mul3A_425 {strides = array<i32>} : memref<80x128xf32, #tpu.memory_space<vmem>>, vector<16xf32>,
      %get3A_429 = arith.index_cast %scan3A_127 : i32 to index
      %get3A_430 = arith.constant 80 : index
      %get3A_431 = tpu.vector_load %arg10[%get3A_429, %get3A_430] {strides = array<i32>} : memref<80x128xf32, #tpu.memory_space<vmem>>, vector<16xf32>,
      %mul3A_432 = arith.mulf %get3A_431, %mul3A_418 : vector<16xf32>
      %swap3A_433 = arith.index_cast %scan3A_127 : i32 to index
      %swap3A_434 = arith.constant 80 : index
      %swap3A_435 = tpu.vector_load %arg10[%swap3A_433, %swap3A_434] {strides = array<i32>} : memref<80x128xf32, #tpu.memory_space<vmem>>, vector<16xf32>,
      tpu.vector_store %arg10[%swap3A_433, %swap3A_434], %mul3A_432 {strides = array<i32>} : memref<80x128xf32, #tpu.memory_space<vmem>>, vector<16xf32>,
      %get3A_436 = arith.index_cast %scan3A_127 : i32 to index
      %get3A_437 = arith.constant 96 : index
      %get3A_438 = tpu.vector_load %arg8[%get3A_436, %get3A_437] {strides = array<i32>} : memref<80x128xf32, #tpu.memory_space<vmem>>, vector<16xf32>,
      %add3A_439 = arith.constant 1.000000e+00 : f32
      %add3A_440 = vector.broadcast %add3A_439 : f32 to vector<16xf32>
      %add3A_441 = arith.addf %get3A_438, %add3A_440 : vector<16xf32>
      %bitcast_convert_type3A_442 = tpu.bitcast %add3A_441 : vector<16xf32> -> vector<16xi32>
      %shift_right_arithmetic3A_443 = arith.constant 1 : i32
      %shift_right_arithmetic3A_444 = vector.broadcast %shift_right_arithmetic3A_443 : i32 to vector<16xi32>
      %shift_right_arithmetic3A_445 = arith.shrsi %bitcast_convert_type3A_442, %shift_right_arithmetic3A_444 : vector<16xi32>
      %sub3A_446 = arith.constant 1597463007 : i32
      %sub3A_447 = vector.broadcast %sub3A_446 : i32 to vector<16xi32>
      %sub3A_448 = arith.subi %sub3A_447, %shift_right_arithmetic3A_445 : vector<16xi32>
      %bitcast_convert_type3A_449 = tpu.bitcast %sub3A_448 : vector<16xi32> -> vector<16xf32>
      %mul3A_450 = arith.constant -5.000000e-01 : f32
      %mul3A_451 = vector.broadcast %mul3A_450 : f32 to vector<16xf32>
      %mul3A_452 = arith.mulf %add3A_441, %mul3A_451 : vector<16xf32>
      %mul3A_453 = arith.mulf %mul3A_452, %bitcast_convert_type3A_449 : vector<16xf32>
      %mul3A_454 = arith.mulf %mul3A_453, %bitcast_convert_type3A_449 : vector<16xf32>
      %add3A_455 = arith.constant 1.500000e+00 : f32
      %add3A_456 = vector.broadcast %add3A_455 : f32 to vector<16xf32>
      %add3A_457 = arith.addf %add3A_456, %mul3A_454 : vector<16xf32>
      %mul3A_458 = arith.mulf %bitcast_convert_type3A_449, %add3A_457 : vector<16xf32>
      %mul3A_459 = arith.mulf %mul3A_452, %mul3A_458 : vector<16xf32>
      %mul3A_460 = arith.mulf %mul3A_459, %mul3A_458 : vector<16xf32>
      %add3A_461 = arith.constant 1.500000e+00 : f32
      %add3A_462 = vector.broadcast %add3A_461 : f32 to vector<16xf32>
      %add3A_463 = arith.addf %add3A_462, %mul3A_460 : vector<16xf32>
      %mul3A_464 = arith.mulf %mul3A_458, %add3A_463 : vector<16xf32>
      %mul3A_465 = arith.mulf %mul3A_452, %mul3A_464 : vector<16xf32>
      %mul3A_466 = arith.mulf %mul3A_465, %mul3A_464 : vector<16xf32>
      %add3A_467 = arith.constant 1.500000e+00 : f32
      %add3A_468 = vector.broadcast %add3A_467 : f32 to vector<16xf32>
      %add3A_469 = arith.addf %add3A_468, %mul3A_466 : vector<16xf32>
      %mul3A_470 = arith.mulf %mul3A_464, %add3A_469 : vector<16xf32>
      %swap3A_471 = arith.index_cast %scan3A_127 : i32 to index
      %swap3A_472 = arith.constant 96 : index
      %swap3A_473 = tpu.vector_load %arg8[%swap3A_471, %swap3A_472] {strides = array<i32>} : memref<80x128xf32, #tpu.memory_space<vmem>>, vector<16xf32>,
      tpu.vector_store %arg8[%swap3A_471, %swap3A_472], %mul3A_470 {strides = array<i32>} : memref<80x128xf32, #tpu.memory_space<vmem>>, vector<16xf32>,
      %get3A_474 = arith.index_cast %scan3A_127 : i32 to index
      %get3A_475 = arith.constant 96 : index
      %get3A_476 = tpu.vector_load %arg9[%get3A_474, %get3A_475] {strides = array<i32>} : memref<80x128xf32, #tpu.memory_space<vmem>>, vector<16xf32>,
      %mul3A_477 = arith.mulf %get3A_476, %mul3A_470 : vector<16xf32>
      %swap3A_478 = arith.index_cast %scan3A_127 : i32 to index
      %swap3A_479 = arith.constant 96 : index
      %swap3A_480 = tpu.vector_load %arg9[%swap3A_478, %swap3A_479] {strides = array<i32>} : memref<80x128xf32, #tpu.memory_space<vmem>>, vector<16xf32>,
      tpu.vector_store %arg9[%swap3A_478, %swap3A_479], %mul3A_477 {strides = array<i32>} : memref<80x128xf32, #tpu.memory_space<vmem>>, vector<16xf32>,
      %get3A_481 = arith.index_cast %scan3A_127 : i32 to index
      %get3A_482 = arith.constant 96 : index
      %get3A_483 = tpu.vector_load %arg10[%get3A_481, %get3A_482] {strides = array<i32>} : memref<80x128xf32, #tpu.memory_space<vmem>>, vector<16xf32>,
      %mul3A_484 = arith.mulf %get3A_483, %mul3A_470 : vector<16xf32>
      %swap3A_485 = arith.index_cast %scan3A_127 : i32 to index
      %swap3A_486 = arith.constant 96 : index
      %swap3A_487 = tpu.vector_load %arg10[%swap3A_485, %swap3A_486] {strides = array<i32>} : memref<80x128xf32, #tpu.memory_space<vmem>>, vector<16xf32>,
      tpu.vector_store %arg10[%swap3A_485, %swap3A_486], %mul3A_484 {strides = array<i32>} : memref<80x128xf32, #tpu.memory_space<vmem>>, vector<16xf32>,
      %get3A_488 = arith.index_cast %scan3A_127 : i32 to index
      %get3A_489 = arith.constant 112 : index
      %get3A_490 = tpu.vector_load %arg8[%get3A_488, %get3A_489] {strides = array<i32>} : memref<80x128xf32, #tpu.memory_space<vmem>>, vector<16xf32>,
      %add3A_491 = arith.constant 1.000000e+00 : f32
      %add3A_492 = vector.broadcast %add3A_491 : f32 to vector<16xf32>
      %add3A_493 = arith.addf %get3A_490, %add3A_492 : vector<16xf32>
      %bitcast_convert_type3A_494 = tpu.bitcast %add3A_493 : vector<16xf32> -> vector<16xi32>
      %shift_right_arithmetic3A_495 = arith.constant 1 : i32
      %shift_right_arithmetic3A_496 = vector.broadcast %shift_right_arithmetic3A_495 : i32 to vector<16xi32>
      %shift_right_arithmetic3A_497 = arith.shrsi %bitcast_convert_type3A_494, %shift_right_arithmetic3A_496 : vector<16xi32>
      %sub3A_498 = arith.constant 1597463007 : i32
      %sub3A_499 = vector.broadcast %sub3A_498 : i32 to vector<16xi32>
      %sub3A_500 = arith.subi %sub3A_499, %shift_right_arithmetic3A_497 : vector<16xi32>
      %bitcast_convert_type3A_501 = tpu.bitcast %sub3A_500 : vector<16xi32> -> vector<16xf32>
      %mul3A_502 = arith.constant -5.000000e-01 : f32
      %mul3A_503 = vector.broadcast %mul3A_502 : f32 to vector<16xf32>
      %mul3A_504 = arith.mulf %add3A_493, %mul3A_503 : vector<16xf32>
      %mul3A_505 = arith.mulf %mul3A_504, %bitcast_convert_type3A_501 : vector<16xf32>
      %mul3A_506 = arith.mulf %mul3A_505, %bitcast_convert_type3A_501 : vector<16xf32>
      %add3A_507 = arith.constant 1.500000e+00 : f32
      %add3A_508 = vector.broadcast %add3A_507 : f32 to vector<16xf32>
      %add3A_509 = arith.addf %add3A_508, %mul3A_506 : vector<16xf32>
      %mul3A_510 = arith.mulf %bitcast_convert_type3A_501, %add3A_509 : vector<16xf32>
      %mul3A_511 = arith.mulf %mul3A_504, %mul3A_510 : vector<16xf32>
      %mul3A_512 = arith.mulf %mul3A_511, %mul3A_510 : vector<16xf32>
      %add3A_513 = arith.constant 1.500000e+00 : f32
      %add3A_514 = vector.broadcast %add3A_513 : f32 to vector<16xf32>
      %add3A_515 = arith.addf %add3A_514, %mul3A_512 : vector<16xf32>
      %mul3A_516 = arith.mulf %mul3A_510, %add3A_515 : vector<16xf32>
      %mul3A_517 = arith.mulf %mul3A_504, %mul3A_516 : vector<16xf32>
      %mul3A_518 = arith.mulf %mul3A_517, %mul3A_516 : vector<16xf32>
      %add3A_519 = arith.constant 1.500000e+00 : f32
      %add3A_520 = vector.broadcast %add3A_519 : f32 to vector<16xf32>
      %add3A_521 = arith.addf %add3A_520, %mul3A_518 : vector<16xf32>
      %mul3A_522 = arith.mulf %mul3A_516, %add3A_521 : vector<16xf32>
      %swap3A_523 = arith.index_cast %scan3A_127 : i32 to index
      %swap3A_524 = arith.constant 112 : index
      %swap3A_525 = tpu.vector_load %arg8[%swap3A_523, %swap3A_524] {strides = array<i32>} : memref<80x128xf32, #tpu.memory_space<vmem>>, vector<16xf32>,
      tpu.vector_store %arg8[%swap3A_523, %swap3A_524], %mul3A_522 {strides = array<i32>} : memref<80x128xf32, #tpu.memory_space<vmem>>, vector<16xf32>,
      %get3A_526 = arith.index_cast %scan3A_127 : i32 to index
      %get3A_527 = arith.constant 112 : index
      %get3A_528 = tpu.vector_load %arg9[%get3A_526, %get3A_527] {strides = array<i32>} : memref<80x128xf32, #tpu.memory_space<vmem>>, vector<16xf32>,
      %mul3A_529 = arith.mulf %get3A_528, %mul3A_522 : vector<16xf32>
      %swap3A_530 = arith.index_cast %scan3A_127 : i32 to index
      %swap3A_531 = arith.constant 112 : index
      %swap3A_532 = tpu.vector_load %arg9[%swap3A_530, %swap3A_531] {strides = array<i32>} : memref<80x128xf32, #tpu.memory_space<vmem>>, vector<16xf32>,
      tpu.vector_store %arg9[%swap3A_530, %swap3A_531], %mul3A_529 {strides = array<i32>} : memref<80x128xf32, #tpu.memory_space<vmem>>, vector<16xf32>,
      %get3A_533 = arith.index_cast %scan3A_127 : i32 to index
      %get3A_534 = arith.constant 112 : index
      %get3A_535 = tpu.vector_load %arg10[%get3A_533, %get3A_534] {strides = array<i32>} : memref<80x128xf32, #tpu.memory_space<vmem>>, vector<16xf32>,
      %mul3A_536 = arith.mulf %get3A_535, %mul3A_522 : vector<16xf32>
      %swap3A_537 = arith.index_cast %scan3A_127 : i32 to index
      %swap3A_538 = arith.constant 112 : index
      %swap3A_539 = tpu.vector_load %arg10[%swap3A_537, %swap3A_538] {strides = array<i32>} : memref<80x128xf32, #tpu.memory_space<vmem>>, vector<16xf32>,
      tpu.vector_store %arg10[%swap3A_537, %swap3A_538], %mul3A_536 {strides = array<i32>} : memref<80x128xf32, #tpu.memory_space<vmem>>, vector<16xf32>,
      %scan3A_540 = arith.constant 0 : i32
      scf.yield %scan3A_540 : i32
    }
    %scan3A_88 = arith.constant 80 : i32
    %eq3A_89 = arith.constant 0 : i32
    %eq3A_90 = arith.cmpi eq, %arg0, %eq3A_89 : i32
    %eq3A_91 = arith.constant 0 : i32
    %eq3A_92 = arith.cmpi eq, %arg1, %eq3A_91 : i32
    %and3A = arith.andi %eq3A_90, %eq3A_92 : i1
    %convert_element_type3A_93 = arith.extui %and3A : i1 to i32
    %cond3A_94 = arith.constant 0 : i32
    %cond3A_95 = arith.cmpi ne, %convert_element_type3A_93, %cond3A_94 : i32
    scf.if %cond3A_95 {
      "tpu.region"() ({
        %run_scoped3A = tpu.sem_alloc : memref<!tpu.dma_semaphore, #tpu.memory_space<semaphore_mem>>
        tpu.enqueue_dma source(%arg8 : memref<80x128xf32, #tpu.memory_space<vmem>>) target(%arg5 : memref<80x128xf32, #tpu.memory_space<hbm>>) target_semaphore(%run_scoped3A : memref<!tpu.dma_semaphore, #tpu.memory_space<semaphore_mem>>)
        tpu.wait_dma2 semaphore(%run_scoped3A : memref<!tpu.dma_semaphore, #tpu.memory_space<semaphore_mem>>) src(%arg8 : memref<80x128xf32, #tpu.memory_space<vmem>>) dst(%arg5 : memref<80x128xf32, #tpu.memory_space<hbm>>)
        tpu.yield
      }) : () -> ()
    } else {
    }
    "tpu.trace_stop"() : () -> ()
    "tpu.trace_start"() <{level = 10 : i32, message = "p3_zero"}> : () -> ()
    %scan3A_96 = arith.constant 0 : i32
    %scan3A_97 = arith.constant 0 : i32
    %scan3A_98 = arith.constant 80 : i32
    %scan3A_99 = arith.addi %scan3A_97, %scan3A_98 : i32
    %scan3A_100 = arith.constant 1 : i32
    %scan3A_101 = scf.for %scan3A_127 = %scan3A_97 to %scan3A_99 step %scan3A_100 iter_args(%scan3A_128 = %scan3A_96) -> (i32)  : i32 {
      %broadcast_in_dim3A = arith.constant 0.000000e+00 : f32
      %broadcast_in_dim3A_129 = vector.broadcast %broadcast_in_dim3A : f32 to vector<16xf32>
      %swap3A = arith.index_cast %scan3A_127 : i32 to index
      %swap3A_130 = arith.constant 0 : index
      %swap3A_131 = tpu.vector_load %arg11[%swap3A, %swap3A_130] {strides = array<i32>} : memref<80x128xf32, #tpu.memory_space<vmem>>, vector<16xf32>,
      tpu.vector_store %arg11[%swap3A, %swap3A_130], %broadcast_in_dim3A_129 {strides = array<i32>} : memref<80x128xf32, #tpu.memory_space<vmem>>, vector<16xf32>,
      %broadcast_in_dim3A_132 = arith.constant 0.000000e+00 : f32
      %broadcast_in_dim3A_133 = vector.broadcast %broadcast_in_dim3A_132 : f32 to vector<16xf32>
      %swap3A_134 = arith.index_cast %scan3A_127 : i32 to index
      %swap3A_135 = arith.constant 16 : index
      %swap3A_136 = tpu.vector_load %arg11[%swap3A_134, %swap3A_135] {strides = array<i32>} : memref<80x128xf32, #tpu.memory_space<vmem>>, vector<16xf32>,
      tpu.vector_store %arg11[%swap3A_134, %swap3A_135], %broadcast_in_dim3A_133 {strides = array<i32>} : memref<80x128xf32, #tpu.memory_space<vmem>>, vector<16xf32>,
      %broadcast_in_dim3A_137 = arith.constant 0.000000e+00 : f32
      %broadcast_in_dim3A_138 = vector.broadcast %broadcast_in_dim3A_137 : f32 to vector<16xf32>
      %swap3A_139 = arith.index_cast %scan3A_127 : i32 to index
      %swap3A_140 = arith.constant 32 : index
      %swap3A_141 = tpu.vector_load %arg11[%swap3A_139, %swap3A_140] {strides = array<i32>} : memref<80x128xf32, #tpu.memory_space<vmem>>, vector<16xf32>,
      tpu.vector_store %arg11[%swap3A_139, %swap3A_140], %broadcast_in_dim3A_138 {strides = array<i32>} : memref<80x128xf32, #tpu.memory_space<vmem>>, vector<16xf32>,
      %broadcast_in_dim3A_142 = arith.constant 0.000000e+00 : f32
      %broadcast_in_dim3A_143 = vector.broadcast %broadcast_in_dim3A_142 : f32 to vector<16xf32>
      %swap3A_144 = arith.index_cast %scan3A_127 : i32 to index
      %swap3A_145 = arith.constant 48 : index
      %swap3A_146 = tpu.vector_load %arg11[%swap3A_144, %swap3A_145] {strides = array<i32>} : memref<80x128xf32, #tpu.memory_space<vmem>>, vector<16xf32>,
      tpu.vector_store %arg11[%swap3A_144, %swap3A_145], %broadcast_in_dim3A_143 {strides = array<i32>} : memref<80x128xf32, #tpu.memory_space<vmem>>, vector<16xf32>,
      %broadcast_in_dim3A_147 = arith.constant 0.000000e+00 : f32
      %broadcast_in_dim3A_148 = vector.broadcast %broadcast_in_dim3A_147 : f32 to vector<16xf32>
      %swap3A_149 = arith.index_cast %scan3A_127 : i32 to index
      %swap3A_150 = arith.constant 64 : index
      %swap3A_151 = tpu.vector_load %arg11[%swap3A_149, %swap3A_150] {strides = array<i32>} : memref<80x128xf32, #tpu.memory_space<vmem>>, vector<16xf32>,
      tpu.vector_store %arg11[%swap3A_149, %swap3A_150], %broadcast_in_dim3A_148 {strides = array<i32>} : memref<80x128xf32, #tpu.memory_space<vmem>>, vector<16xf32>,
      %broadcast_in_dim3A_152 = arith.constant 0.000000e+00 : f32
      %broadcast_in_dim3A_153 = vector.broadcast %broadcast_in_dim3A_152 : f32 to vector<16xf32>
      %swap3A_154 = arith.index_cast %scan3A_127 : i32 to index
      %swap3A_155 = arith.constant 80 : index
      %swap3A_156 = tpu.vector_load %arg11[%swap3A_154, %swap3A_155] {strides = array<i32>} : memref<80x128xf32, #tpu.memory_space<vmem>>, vector<16xf32>,
      tpu.vector_store %arg11[%swap3A_154, %swap3A_155], %broadcast_in_dim3A_153 {strides = array<i32>} : memref<80x128xf32, #tpu.memory_space<vmem>>, vector<16xf32>,
      %broadcast_in_dim3A_157 = arith.constant 0.000000e+00 : f32
      %broadcast_in_dim3A_158 = vector.broadcast %broadcast_in_dim3A_157 : f32 to vector<16xf32>
      %swap3A_159 = arith.index_cast %scan3A_127 : i32 to index
      %swap3A_160 = arith.constant 96 : index
      %swap3A_161 = tpu.vector_load %arg11[%swap3A_159, %swap3A_160] {strides = array<i32>} : memref<80x128xf32, #tpu.memory_space<vmem>>, vector<16xf32>,
      tpu.vector_store %arg11[%swap3A_159, %swap3A_160], %broadcast_in_dim3A_158 {strides = array<i32>} : memref<80x128xf32, #tpu.memory_space<vmem>>, vector<16xf32>,
      %broadcast_in_dim3A_162 = arith.constant 0.000000e+00 : f32
      %broadcast_in_dim3A_163 = vector.broadcast %broadcast_in_dim3A_162 : f32 to vector<16xf32>
      %swap3A_164 = arith.index_cast %scan3A_127 : i32 to index
      %swap3A_165 = arith.constant 112 : index
      %swap3A_166 = tpu.vector_load %arg11[%swap3A_164, %swap3A_165] {strides = array<i32>} : memref<80x128xf32, #tpu.memory_space<vmem>>, vector<16xf32>,
      tpu.vector_store %arg11[%swap3A_164, %swap3A_165], %broadcast_in_dim3A_163 {strides = array<i32>} : memref<80x128xf32, #tpu.memory_space<vmem>>, vector<16xf32>,
      %scan3A_167 = arith.constant 0 : i32
      scf.yield %scan3A_167 : i32
    }
    %scan3A_102 = arith.constant 80 : i32
    %scan3A_103 = arith.constant 0 : i32
    %scan3A_104 = arith.constant 0 : i32
    %scan3A_105 = arith.constant 80 : i32
    %scan3A_106 = arith.addi %scan3A_104, %scan3A_105 : i32
    %scan3A_107 = arith.constant 1 : i32
    %scan3A_108 = scf.for %scan3A_127 = %scan3A_104 to %scan3A_106 step %scan3A_107 iter_args(%scan3A_128 = %scan3A_103) -> (i32)  : i32 {
      %broadcast_in_dim3A = arith.constant 0.000000e+00 : f32
      %broadcast_in_dim3A_129 = vector.broadcast %broadcast_in_dim3A : f32 to vector<16xf32>
      %swap3A = arith.index_cast %scan3A_127 : i32 to index
      %swap3A_130 = arith.constant 0 : index
      %swap3A_131 = tpu.vector_load %arg12[%swap3A, %swap3A_130] {strides = array<i32>} : memref<80x128xf32, #tpu.memory_space<vmem>>, vector<16xf32>,
      tpu.vector_store %arg12[%swap3A, %swap3A_130], %broadcast_in_dim3A_129 {strides = array<i32>} : memref<80x128xf32, #tpu.memory_space<vmem>>, vector<16xf32>,
      %broadcast_in_dim3A_132 = arith.constant 0.000000e+00 : f32
      %broadcast_in_dim3A_133 = vector.broadcast %broadcast_in_dim3A_132 : f32 to vector<16xf32>
      %swap3A_134 = arith.index_cast %scan3A_127 : i32 to index
      %swap3A_135 = arith.constant 16 : index
      %swap3A_136 = tpu.vector_load %arg12[%swap3A_134, %swap3A_135] {strides = array<i32>} : memref<80x128xf32, #tpu.memory_space<vmem>>, vector<16xf32>,
      tpu.vector_store %arg12[%swap3A_134, %swap3A_135], %broadcast_in_dim3A_133 {strides = array<i32>} : memref<80x128xf32, #tpu.memory_space<vmem>>, vector<16xf32>,
      %broadcast_in_dim3A_137 = arith.constant 0.000000e+00 : f32
      %broadcast_in_dim3A_138 = vector.broadcast %broadcast_in_dim3A_137 : f32 to vector<16xf32>
      %swap3A_139 = arith.index_cast %scan3A_127 : i32 to index
      %swap3A_140 = arith.constant 32 : index
      %swap3A_141 = tpu.vector_load %arg12[%swap3A_139, %swap3A_140] {strides = array<i32>} : memref<80x128xf32, #tpu.memory_space<vmem>>, vector<16xf32>,
      tpu.vector_store %arg12[%swap3A_139, %swap3A_140], %broadcast_in_dim3A_138 {strides = array<i32>} : memref<80x128xf32, #tpu.memory_space<vmem>>, vector<16xf32>,
      %broadcast_in_dim3A_142 = arith.constant 0.000000e+00 : f32
      %broadcast_in_dim3A_143 = vector.broadcast %broadcast_in_dim3A_142 : f32 to vector<16xf32>
      %swap3A_144 = arith.index_cast %scan3A_127 : i32 to index
      %swap3A_145 = arith.constant 48 : index
      %swap3A_146 = tpu.vector_load %arg12[%swap3A_144, %swap3A_145] {strides = array<i32>} : memref<80x128xf32, #tpu.memory_space<vmem>>, vector<16xf32>,
      tpu.vector_store %arg12[%swap3A_144, %swap3A_145], %broadcast_in_dim3A_143 {strides = array<i32>} : memref<80x128xf32, #tpu.memory_space<vmem>>, vector<16xf32>,
      %broadcast_in_dim3A_147 = arith.constant 0.000000e+00 : f32
      %broadcast_in_dim3A_148 = vector.broadcast %broadcast_in_dim3A_147 : f32 to vector<16xf32>
      %swap3A_149 = arith.index_cast %scan3A_127 : i32 to index
      %swap3A_150 = arith.constant 64 : index
      %swap3A_151 = tpu.vector_load %arg12[%swap3A_149, %swap3A_150] {strides = array<i32>} : memref<80x128xf32, #tpu.memory_space<vmem>>, vector<16xf32>,
      tpu.vector_store %arg12[%swap3A_149, %swap3A_150], %broadcast_in_dim3A_148 {strides = array<i32>} : memref<80x128xf32, #tpu.memory_space<vmem>>, vector<16xf32>,
      %broadcast_in_dim3A_152 = arith.constant 0.000000e+00 : f32
      %broadcast_in_dim3A_153 = vector.broadcast %broadcast_in_dim3A_152 : f32 to vector<16xf32>
      %swap3A_154 = arith.index_cast %scan3A_127 : i32 to index
      %swap3A_155 = arith.constant 80 : index
      %swap3A_156 = tpu.vector_load %arg12[%swap3A_154, %swap3A_155] {strides = array<i32>} : memref<80x128xf32, #tpu.memory_space<vmem>>, vector<16xf32>,
      tpu.vector_store %arg12[%swap3A_154, %swap3A_155], %broadcast_in_dim3A_153 {strides = array<i32>} : memref<80x128xf32, #tpu.memory_space<vmem>>, vector<16xf32>,
      %broadcast_in_dim3A_157 = arith.constant 0.000000e+00 : f32
      %broadcast_in_dim3A_158 = vector.broadcast %broadcast_in_dim3A_157 : f32 to vector<16xf32>
      %swap3A_159 = arith.index_cast %scan3A_127 : i32 to index
      %swap3A_160 = arith.constant 96 : index
      %swap3A_161 = tpu.vector_load %arg12[%swap3A_159, %swap3A_160] {strides = array<i32>} : memref<80x128xf32, #tpu.memory_space<vmem>>, vector<16xf32>,
      tpu.vector_store %arg12[%swap3A_159, %swap3A_160], %broadcast_in_dim3A_158 {strides = array<i32>} : memref<80x128xf32, #tpu.memory_space<vmem>>, vector<16xf32>,
      %broadcast_in_dim3A_162 = arith.constant 0.000000e+00 : f32
      %broadcast_in_dim3A_163 = vector.broadcast %broadcast_in_dim3A_162 : f32 to vector<16xf32>
      %swap3A_164 = arith.index_cast %scan3A_127 : i32 to index
      %swap3A_165 = arith.constant 112 : index
      %swap3A_166 = tpu.vector_load %arg12[%swap3A_164, %swap3A_165] {strides = array<i32>} : memref<80x128xf32, #tpu.memory_space<vmem>>, vector<16xf32>,
      tpu.vector_store %arg12[%swap3A_164, %swap3A_165], %broadcast_in_dim3A_163 {strides = array<i32>} : memref<80x128xf32, #tpu.memory_space<vmem>>, vector<16xf32>,
      %scan3A_167 = arith.constant 0 : i32
      scf.yield %scan3A_167 : i32
    }
    %scan3A_109 = arith.constant 80 : i32
    "tpu.trace_stop"() : () -> ()
    "tpu.trace_start"() <{level = 10 : i32, message = "p3_stage"}> : () -> ()
    %dma_wait3A_110 = tpu.memref_slice %arg2[%mul3A_54] : memref<640000xi32, #tpu.memory_space<hbm>> -> memref<10000xi32, #tpu.memory_space<hbm>>
    %dma_wait3A_111 = tpu.memref_slice %arg2[%mul3A_54] : memref<640000xi32, #tpu.memory_space<hbm>> -> memref<10000xi32, #tpu.memory_space<hbm>>
    tpu.wait_dma2 semaphore(%arg16 : memref<!tpu.dma_semaphore, #tpu.memory_space<semaphore_mem>>) src(%dma_wait3A_111 : memref<10000xi32, #tpu.memory_space<hbm>>) dst(%arg6 : memref<10000xi32, #tpu.memory_space<vmem>>)
    %dma_wait3A_112 = tpu.memref_slice %arg2[%add3A_60] : memref<640000xi32, #tpu.memory_space<hbm>> -> memref<10000xi32, #tpu.memory_space<hbm>>
    %dma_wait3A_113 = tpu.memref_slice %arg2[%add3A_60] : memref<640000xi32, #tpu.memory_space<hbm>> -> memref<10000xi32, #tpu.memory_space<hbm>>
    tpu.wait_dma2 semaphore(%arg16 : memref<!tpu.dma_semaphore, #tpu.memory_space<semaphore_mem>>) src(%dma_wait3A_113 : memref<10000xi32, #tpu.memory_space<hbm>>) dst(%arg7 : memref<10000xi32, #tpu.memory_space<vmem>>)
    "tpu.trace_stop"() : () -> ()
    "tpu.trace_start"() <{level = 10 : i32, message = "p3_msg"}> : () -> ()
    %scan3A_114 = arith.constant 0 : i32
    %scan3A_115 = arith.constant 0 : i32
    %scan3A_116 = arith.constant 125 : i32
    %scan3A_117 = arith.addi %scan3A_115, %scan3A_116 : i32
    %scan3A_118 = arith.constant 1 : i32
    %scan3A_119 = scf.for %scan3A_127 = %scan3A_115 to %scan3A_117 step %scan3A_118 iter_args(%scan3A_128 = %scan3A_114) -> (i32)  : i32 {
      %mul3A_129 = arith.constant 5 : i32
      %mul3A_130 = arith.muli %scan3A_127, %mul3A_129 : i32
      %add3A_131 = arith.constant 0 : i32
      %add3A_132 = arith.addi %mul3A_130, %add3A_131 : i32
      %mul3A_133 = arith.constant 16 : i32
      %mul3A_134 = arith.muli %add3A_132, %mul3A_133 : i32
      %get3A = arith.index_cast %mul3A_134 : i32 to index
      %get3A_135 = tpu.vector_load %arg6[%get3A] {strides = array<i32>} : memref<10000xi32, #tpu.memory_space<vmem>>, vector<16xi32>,
      %get3A_136 = arith.index_cast %mul3A_134 : i32 to index
      %get3A_137 = tpu.vector_load %arg7[%get3A_136] {strides = array<i32>} : memref<10000xi32, #tpu.memory_space<vmem>>, vector<16xi32>,
      %shift_right_arithmetic3A = arith.constant 7 : i32
      %shift_right_arithmetic3A_138 = vector.broadcast %shift_right_arithmetic3A : i32 to vector<16xi32>
      %shift_right_arithmetic3A_139 = arith.shrsi %get3A_137, %shift_right_arithmetic3A_138 : vector<16xi32>
      %and3A_140 = arith.constant 127 : i32
      %and3A_141 = vector.broadcast %and3A_140 : i32 to vector<16xi32>
      %and3A_142 = arith.andi %get3A_137, %and3A_141 : vector<16xi32>
      %shift_right_arithmetic3A_143 = arith.constant 7 : i32
      %shift_right_arithmetic3A_144 = vector.broadcast %shift_right_arithmetic3A_143 : i32 to vector<16xi32>
      %shift_right_arithmetic3A_145 = arith.shrsi %get3A_135, %shift_right_arithmetic3A_144 : vector<16xi32>
      %and3A_146 = arith.constant 127 : i32
      %and3A_147 = vector.broadcast %and3A_146 : i32 to vector<16xi32>
      %and3A_148 = arith.andi %get3A_135, %and3A_147 : vector<16xi32>
      %gather3A = tpu.vector_load_idx %arg9[%shift_right_arithmetic3A_145, %and3A_148] : memref<80x128xf32, #tpu.memory_space<vmem>>[vector<16xi32>, vector<16xi32>], vector<16xf32>,
      tpu.vector_store_idx %arg11[%shift_right_arithmetic3A_139, %and3A_142], %gather3A {add = true} : memref<80x128xf32, #tpu.memory_space<vmem>>[vector<16xi32>, vector<16xi32>], vector<16xf32>,
      %shift_right_arithmetic3A_149 = arith.constant 7 : i32
      %shift_right_arithmetic3A_150 = vector.broadcast %shift_right_arithmetic3A_149 : i32 to vector<16xi32>
      %shift_right_arithmetic3A_151 = arith.shrsi %get3A_135, %shift_right_arithmetic3A_150 : vector<16xi32>
      %and3A_152 = arith.constant 127 : i32
      %and3A_153 = vector.broadcast %and3A_152 : i32 to vector<16xi32>
      %and3A_154 = arith.andi %get3A_135, %and3A_153 : vector<16xi32>
      %gather3A_155 = tpu.vector_load_idx %arg10[%shift_right_arithmetic3A_151, %and3A_154] : memref<80x128xf32, #tpu.memory_space<vmem>>[vector<16xi32>, vector<16xi32>], vector<16xf32>,
      tpu.vector_store_idx %arg12[%shift_right_arithmetic3A_139, %and3A_142], %gather3A_155 {add = true} : memref<80x128xf32, #tpu.memory_space<vmem>>[vector<16xi32>, vector<16xi32>], vector<16xf32>,
      %mul3A_156 = arith.constant 5 : i32
      %mul3A_157 = arith.muli %scan3A_127, %mul3A_156 : i32
      %add3A_158 = arith.constant 1 : i32
      %add3A_159 = arith.addi %mul3A_157, %add3A_158 : i32
      %mul3A_160 = arith.constant 16 : i32
      %mul3A_161 = arith.muli %add3A_159, %mul3A_160 : i32
      %get3A_162 = arith.index_cast %mul3A_161 : i32 to index
      %get3A_163 = tpu.vector_load %arg6[%get3A_162] {strides = array<i32>} : memref<10000xi32, #tpu.memory_space<vmem>>, vector<16xi32>,
      %get3A_164 = arith.index_cast %mul3A_161 : i32 to index
      %get3A_165 = tpu.vector_load %arg7[%get3A_164] {strides = array<i32>} : memref<10000xi32, #tpu.memory_space<vmem>>, vector<16xi32>,
      %shift_right_arithmetic3A_166 = arith.constant 7 : i32
      %shift_right_arithmetic3A_167 = vector.broadcast %shift_right_arithmetic3A_166 : i32 to vector<16xi32>
      %shift_right_arithmetic3A_168 = arith.shrsi %get3A_165, %shift_right_arithmetic3A_167 : vector<16xi32>
      %and3A_169 = arith.constant 127 : i32
      %and3A_170 = vector.broadcast %and3A_169 : i32 to vector<16xi32>
      %and3A_171 = arith.andi %get3A_165, %and3A_170 : vector<16xi32>
      %shift_right_arithmetic3A_172 = arith.constant 7 : i32
      %shift_right_arithmetic3A_173 = vector.broadcast %shift_right_arithmetic3A_172 : i32 to vector<16xi32>
      %shift_right_arithmetic3A_174 = arith.shrsi %get3A_163, %shift_right_arithmetic3A_173 : vector<16xi32>
      %and3A_175 = arith.constant 127 : i32
      %and3A_176 = vector.broadcast %and3A_175 : i32 to vector<16xi32>
      %and3A_177 = arith.andi %get3A_163, %and3A_176 : vector<16xi32>
      %gather3A_178 = tpu.vector_load_idx %arg9[%shift_right_arithmetic3A_174, %and3A_177] : memref<80x128xf32, #tpu.memory_space<vmem>>[vector<16xi32>, vector<16xi32>], vector<16xf32>,
      tpu.vector_store_idx %arg11[%shift_right_arithmetic3A_168, %and3A_171], %gather3A_178 {add = true} : memref<80x128xf32, #tpu.memory_space<vmem>>[vector<16xi32>, vector<16xi32>], vector<16xf32>,
      %shift_right_arithmetic3A_179 = arith.constant 7 : i32
      %shift_right_arithmetic3A_180 = vector.broadcast %shift_right_arithmetic3A_179 : i32 to vector<16xi32>
      %shift_right_arithmetic3A_181 = arith.shrsi %get3A_163, %shift_right_arithmetic3A_180 : vector<16xi32>
      %and3A_182 = arith.constant 127 : i32
      %and3A_183 = vector.broadcast %and3A_182 : i32 to vector<16xi32>
      %and3A_184 = arith.andi %get3A_163, %and3A_183 : vector<16xi32>
      %gather3A_185 = tpu.vector_load_idx %arg10[%shift_right_arithmetic3A_181, %and3A_184] : memref<80x128xf32, #tpu.memory_space<vmem>>[vector<16xi32>, vector<16xi32>], vector<16xf32>,
      tpu.vector_store_idx %arg12[%shift_right_arithmetic3A_168, %and3A_171], %gather3A_185 {add = true} : memref<80x128xf32, #tpu.memory_space<vmem>>[vector<16xi32>, vector<16xi32>], vector<16xf32>,
      %mul3A_186 = arith.constant 5 : i32
      %mul3A_187 = arith.muli %scan3A_127, %mul3A_186 : i32
      %add3A_188 = arith.constant 2 : i32
      %add3A_189 = arith.addi %mul3A_187, %add3A_188 : i32
      %mul3A_190 = arith.constant 16 : i32
      %mul3A_191 = arith.muli %add3A_189, %mul3A_190 : i32
      %get3A_192 = arith.index_cast %mul3A_191 : i32 to index
      %get3A_193 = tpu.vector_load %arg6[%get3A_192] {strides = array<i32>} : memref<10000xi32, #tpu.memory_space<vmem>>, vector<16xi32>,
      %get3A_194 = arith.index_cast %mul3A_191 : i32 to index
      %get3A_195 = tpu.vector_load %arg7[%get3A_194] {strides = array<i32>} : memref<10000xi32, #tpu.memory_space<vmem>>, vector<16xi32>,
      %shift_right_arithmetic3A_196 = arith.constant 7 : i32
      %shift_right_arithmetic3A_197 = vector.broadcast %shift_right_arithmetic3A_196 : i32 to vector<16xi32>
      %shift_right_arithmetic3A_198 = arith.shrsi %get3A_195, %shift_right_arithmetic3A_197 : vector<16xi32>
      %and3A_199 = arith.constant 127 : i32
      %and3A_200 = vector.broadcast %and3A_199 : i32 to vector<16xi32>
      %and3A_201 = arith.andi %get3A_195, %and3A_200 : vector<16xi32>
      %shift_right_arithmetic3A_202 = arith.constant 7 : i32
      %shift_right_arithmetic3A_203 = vector.broadcast %shift_right_arithmetic3A_202 : i32 to vector<16xi32>
      %shift_right_arithmetic3A_204 = arith.shrsi %get3A_193, %shift_right_arithmetic3A_203 : vector<16xi32>
      %and3A_205 = arith.constant 127 : i32
      %and3A_206 = vector.broadcast %and3A_205 : i32 to vector<16xi32>
      %and3A_207 = arith.andi %get3A_193, %and3A_206 : vector<16xi32>
      %gather3A_208 = tpu.vector_load_idx %arg9[%shift_right_arithmetic3A_204, %and3A_207] : memref<80x128xf32, #tpu.memory_space<vmem>>[vector<16xi32>, vector<16xi32>], vector<16xf32>,
      tpu.vector_store_idx %arg11[%shift_right_arithmetic3A_198, %and3A_201], %gather3A_208 {add = true} : memref<80x128xf32, #tpu.memory_space<vmem>>[vector<16xi32>, vector<16xi32>], vector<16xf32>,
      %shift_right_arithmetic3A_209 = arith.constant 7 : i32
      %shift_right_arithmetic3A_210 = vector.broadcast %shift_right_arithmetic3A_209 : i32 to vector<16xi32>
      %shift_right_arithmetic3A_211 = arith.shrsi %get3A_193, %shift_right_arithmetic3A_210 : vector<16xi32>
      %and3A_212 = arith.constant 127 : i32
      %and3A_213 = vector.broadcast %and3A_212 : i32 to vector<16xi32>
      %and3A_214 = arith.andi %get3A_193, %and3A_213 : vector<16xi32>
      %gather3A_215 = tpu.vector_load_idx %arg10[%shift_right_arithmetic3A_211, %and3A_214] : memref<80x128xf32, #tpu.memory_space<vmem>>[vector<16xi32>, vector<16xi32>], vector<16xf32>,
      tpu.vector_store_idx %arg12[%shift_right_arithmetic3A_198, %and3A_201], %gather3A_215 {add = true} : memref<80x128xf32, #tpu.memory_space<vmem>>[vector<16xi32>, vector<16xi32>], vector<16xf32>,
      %mul3A_216 = arith.constant 5 : i32
      %mul3A_217 = arith.muli %scan3A_127, %mul3A_216 : i32
      %add3A_218 = arith.constant 3 : i32
      %add3A_219 = arith.addi %mul3A_217, %add3A_218 : i32
      %mul3A_220 = arith.constant 16 : i32
      %mul3A_221 = arith.muli %add3A_219, %mul3A_220 : i32
      %get3A_222 = arith.index_cast %mul3A_221 : i32 to index
      %get3A_223 = tpu.vector_load %arg6[%get3A_222] {strides = array<i32>} : memref<10000xi32, #tpu.memory_space<vmem>>, vector<16xi32>,
      %get3A_224 = arith.index_cast %mul3A_221 : i32 to index
      %get3A_225 = tpu.vector_load %arg7[%get3A_224] {strides = array<i32>} : memref<10000xi32, #tpu.memory_space<vmem>>, vector<16xi32>,
      %shift_right_arithmetic3A_226 = arith.constant 7 : i32
      %shift_right_arithmetic3A_227 = vector.broadcast %shift_right_arithmetic3A_226 : i32 to vector<16xi32>
      %shift_right_arithmetic3A_228 = arith.shrsi %get3A_225, %shift_right_arithmetic3A_227 : vector<16xi32>
      %and3A_229 = arith.constant 127 : i32
      %and3A_230 = vector.broadcast %and3A_229 : i32 to vector<16xi32>
      %and3A_231 = arith.andi %get3A_225, %and3A_230 : vector<16xi32>
      %shift_right_arithmetic3A_232 = arith.constant 7 : i32
      %shift_right_arithmetic3A_233 = vector.broadcast %shift_right_arithmetic3A_232 : i32 to vector<16xi32>
      %shift_right_arithmetic3A_234 = arith.shrsi %get3A_223, %shift_right_arithmetic3A_233 : vector<16xi32>
      %and3A_235 = arith.constant 127 : i32
      %and3A_236 = vector.broadcast %and3A_235 : i32 to vector<16xi32>
      %and3A_237 = arith.andi %get3A_223, %and3A_236 : vector<16xi32>
      %gather3A_238 = tpu.vector_load_idx %arg9[%shift_right_arithmetic3A_234, %and3A_237] : memref<80x128xf32, #tpu.memory_space<vmem>>[vector<16xi32>, vector<16xi32>], vector<16xf32>,
      tpu.vector_store_idx %arg11[%shift_right_arithmetic3A_228, %and3A_231], %gather3A_238 {add = true} : memref<80x128xf32, #tpu.memory_space<vmem>>[vector<16xi32>, vector<16xi32>], vector<16xf32>,
      %shift_right_arithmetic3A_239 = arith.constant 7 : i32
      %shift_right_arithmetic3A_240 = vector.broadcast %shift_right_arithmetic3A_239 : i32 to vector<16xi32>
      %shift_right_arithmetic3A_241 = arith.shrsi %get3A_223, %shift_right_arithmetic3A_240 : vector<16xi32>
      %and3A_242 = arith.constant 127 : i32
      %and3A_243 = vector.broadcast %and3A_242 : i32 to vector<16xi32>
      %and3A_244 = arith.andi %get3A_223, %and3A_243 : vector<16xi32>
      %gather3A_245 = tpu.vector_load_idx %arg10[%shift_right_arithmetic3A_241, %and3A_244] : memref<80x128xf32, #tpu.memory_space<vmem>>[vector<16xi32>, vector<16xi32>], vector<16xf32>,
      tpu.vector_store_idx %arg12[%shift_right_arithmetic3A_228, %and3A_231], %gather3A_245 {add = true} : memref<80x128xf32, #tpu.memory_space<vmem>>[vector<16xi32>, vector<16xi32>], vector<16xf32>,
      %mul3A_246 = arith.constant 5 : i32
      %mul3A_247 = arith.muli %scan3A_127, %mul3A_246 : i32
      %add3A_248 = arith.constant 4 : i32
      %add3A_249 = arith.addi %mul3A_247, %add3A_248 : i32
      %mul3A_250 = arith.constant 16 : i32
      %mul3A_251 = arith.muli %add3A_249, %mul3A_250 : i32
      %get3A_252 = arith.index_cast %mul3A_251 : i32 to index
      %get3A_253 = tpu.vector_load %arg6[%get3A_252] {strides = array<i32>} : memref<10000xi32, #tpu.memory_space<vmem>>, vector<16xi32>,
      %get3A_254 = arith.index_cast %mul3A_251 : i32 to index
      %get3A_255 = tpu.vector_load %arg7[%get3A_254] {strides = array<i32>} : memref<10000xi32, #tpu.memory_space<vmem>>, vector<16xi32>,
      %shift_right_arithmetic3A_256 = arith.constant 7 : i32
      %shift_right_arithmetic3A_257 = vector.broadcast %shift_right_arithmetic3A_256 : i32 to vector<16xi32>
      %shift_right_arithmetic3A_258 = arith.shrsi %get3A_255, %shift_right_arithmetic3A_257 : vector<16xi32>
      %and3A_259 = arith.constant 127 : i32
      %and3A_260 = vector.broadcast %and3A_259 : i32 to vector<16xi32>
      %and3A_261 = arith.andi %get3A_255, %and3A_260 : vector<16xi32>
      %shift_right_arithmetic3A_262 = arith.constant 7 : i32
      %shift_right_arithmetic3A_263 = vector.broadcast %shift_right_arithmetic3A_262 : i32 to vector<16xi32>
      %shift_right_arithmetic3A_264 = arith.shrsi %get3A_253, %shift_right_arithmetic3A_263 : vector<16xi32>
      %and3A_265 = arith.constant 127 : i32
      %and3A_266 = vector.broadcast %and3A_265 : i32 to vector<16xi32>
      %and3A_267 = arith.andi %get3A_253, %and3A_266 : vector<16xi32>
      %gather3A_268 = tpu.vector_load_idx %arg9[%shift_right_arithmetic3A_264, %and3A_267] : memref<80x128xf32, #tpu.memory_space<vmem>>[vector<16xi32>, vector<16xi32>], vector<16xf32>,
      tpu.vector_store_idx %arg11[%shift_right_arithmetic3A_258, %and3A_261], %gather3A_268 {add = true} : memref<80x128xf32, #tpu.memory_space<vmem>>[vector<16xi32>, vector<16xi32>], vector<16xf32>,
      %shift_right_arithmetic3A_269 = arith.constant 7 : i32
      %shift_right_arithmetic3A_270 = vector.broadcast %shift_right_arithmetic3A_269 : i32 to vector<16xi32>
      %shift_right_arithmetic3A_271 = arith.shrsi %get3A_253, %shift_right_arithmetic3A_270 : vector<16xi32>
      %and3A_272 = arith.constant 127 : i32
      %and3A_273 = vector.broadcast %and3A_272 : i32 to vector<16xi32>
      %and3A_274 = arith.andi %get3A_253, %and3A_273 : vector<16xi32>
      %gather3A_275 = tpu.vector_load_idx %arg10[%shift_right_arithmetic3A_271, %and3A_274] : memref<80x128xf32, #tpu.memory_space<vmem>>[vector<16xi32>, vector<16xi32>], vector<16xf32>,
      tpu.vector_store_idx %arg12[%shift_right_arithmetic3A_258, %and3A_261], %gather3A_275 {add = true} : memref<80x128xf32, #tpu.memory_space<vmem>>[vector<16xi32>, vector<16xi32>], vector<16xf32>,
      %scan3A_276 = arith.constant 0 : i32
      scf.yield %scan3A_276 : i32
    }
    %scan3A_120 = arith.constant 125 : i32
    "tpu.trace_stop"() : () -> ()
    "tpu.trace_start"() <{level = 10 : i32, message = "p4_out"}> : () -> ()
    %mul3A_121 = arith.constant 80 : i32
    %mul3A_122 = arith.muli %add3A, %mul3A_121 : i32
    "tpu.region"() ({
      %run_scoped3A = tpu.sem_alloc : memref<!tpu.dma_semaphore, #tpu.memory_space<semaphore_mem>>
      %dma_start3A_127 = arith.constant 0 : i32
      %dma_start3A_128 = tpu.memref_slice %arg4[%mul3A_122, %dma_start3A_127] : memref<5120x128xf32, #tpu.memory_space<hbm>> -> memref<80x128xf32, #tpu.memory_space<hbm>>
      %dma_start3A_129 = arith.constant 0 : i32
      %dma_start3A_130 = tpu.memref_slice %arg4[%mul3A_122, %dma_start3A_129] : memref<5120x128xf32, #tpu.memory_space<hbm>> -> memref<80x128xf32, #tpu.memory_space<hbm>>
      tpu.enqueue_dma source(%arg11 : memref<80x128xf32, #tpu.memory_space<vmem>>) target(%dma_start3A_130 : memref<80x128xf32, #tpu.memory_space<hbm>>) target_semaphore(%run_scoped3A : memref<!tpu.dma_semaphore, #tpu.memory_space<semaphore_mem>>)
      %dma_wait3A_131 = arith.constant 0 : i32
      %dma_wait3A_132 = tpu.memref_slice %arg4[%mul3A_122, %dma_wait3A_131] : memref<5120x128xf32, #tpu.memory_space<hbm>> -> memref<80x128xf32, #tpu.memory_space<hbm>>
      %dma_wait3A_133 = arith.constant 0 : i32
      %dma_wait3A_134 = tpu.memref_slice %arg4[%mul3A_122, %dma_wait3A_133] : memref<5120x128xf32, #tpu.memory_space<hbm>> -> memref<80x128xf32, #tpu.memory_space<hbm>>
      tpu.wait_dma2 semaphore(%run_scoped3A : memref<!tpu.dma_semaphore, #tpu.memory_space<semaphore_mem>>) src(%arg11 : memref<80x128xf32, #tpu.memory_space<vmem>>) dst(%dma_wait3A_134 : memref<80x128xf32, #tpu.memory_space<hbm>>)
      tpu.yield
    }) : () -> ()
    %add3A_123 = arith.constant 32 : i32
    %add3A_124 = arith.addi %add3A_123, %add3A : i32
    %mul3A_125 = arith.constant 80 : i32
    %mul3A_126 = arith.muli %add3A_124, %mul3A_125 : i32
    "tpu.region"() ({
      %run_scoped3A = tpu.sem_alloc : memref<!tpu.dma_semaphore, #tpu.memory_space<semaphore_mem>>
      %dma_start3A_127 = arith.constant 0 : i32
      %dma_start3A_128 = tpu.memref_slice %arg4[%mul3A_126, %dma_start3A_127] : memref<5120x128xf32, #tpu.memory_space<hbm>> -> memref<80x128xf32, #tpu.memory_space<hbm>>
      %dma_start3A_129 = arith.constant 0 : i32
      %dma_start3A_130 = tpu.memref_slice %arg4[%mul3A_126, %dma_start3A_129] : memref<5120x128xf32, #tpu.memory_space<hbm>> -> memref<80x128xf32, #tpu.memory_space<hbm>>
      tpu.enqueue_dma source(%arg12 : memref<80x128xf32, #tpu.memory_space<vmem>>) target(%dma_start3A_130 : memref<80x128xf32, #tpu.memory_space<hbm>>) target_semaphore(%run_scoped3A : memref<!tpu.dma_semaphore, #tpu.memory_space<semaphore_mem>>)
      %dma_wait3A_131 = arith.constant 0 : i32
      %dma_wait3A_132 = tpu.memref_slice %arg4[%mul3A_126, %dma_wait3A_131] : memref<5120x128xf32, #tpu.memory_space<hbm>> -> memref<80x128xf32, #tpu.memory_space<hbm>>
      %dma_wait3A_133 = arith.constant 0 : i32
      %dma_wait3A_134 = tpu.memref_slice %arg4[%mul3A_126, %dma_wait3A_133] : memref<5120x128xf32, #tpu.memory_space<hbm>> -> memref<80x128xf32, #tpu.memory_space<hbm>>
      tpu.wait_dma2 semaphore(%run_scoped3A : memref<!tpu.dma_semaphore, #tpu.memory_space<semaphore_mem>>) src(%arg12 : memref<80x128xf32, #tpu.memory_space<vmem>>) dst(%dma_wait3A_134 : memref<80x128xf32, #tpu.memory_space<hbm>>)
      tpu.yield
    }) : () -> ()
    "tpu.trace_stop"() : () -> ()
    return
  }
}

module attributes {stable_mosaic.version = 14 : i64} {
  func.func @_z_body(%arg0: i32, %arg1: memref<2048x128xf32, #tpu.memory_space<vmem>>, %arg2: memref<8x128xf32, #tpu.memory_space<vmem>>, %arg3: memref<8x16x128xf32, #tpu.memory_space<vmem>>) attributes {dimension_semantics = [#tpu.dimension_semantics<arbitrary>], iteration_bounds = array<i64: 5>, scalar_prefetch = 0 : i64, scratch_operands = 0 : i64, tpu.core_type = #tpu.core_type<tc>, window_params = [{transform_indices = @transform_0, window_bounds = array<i64: 2048, 128>}, {pipeline_mode = #tpu.pipeline_mode<synchronous>, transform_indices = @transform_1, window_bounds = array<i64: 8, 128>}, {transform_indices = @transform_2, window_bounds = array<i64: 8, 16, 128>}]} {
    %get3A = arith.constant 0 : index
    %get3A_0 = arith.constant 0 : index
    %get3A_1 = vector.load %arg2[%get3A, %get3A_0] : memref<8x128xf32, #tpu.memory_space<vmem>>, vector<8x128xf32>
    %get3A_2 = arith.constant 0 : index
    %get3A_3 = arith.constant 0 : index
    %get3A_4 = vector.load %arg1[%get3A_2, %get3A_3] : memref<2048x128xf32, #tpu.memory_space<vmem>>, vector<2048x128xf32>
    %dot_general3A = arith.constant dense<0.000000e+00> : vector<8x2048xf32>
    %dot_general3A_5 = tpu.matmul %get3A_1, %get3A_4, %dot_general3A {dimension_numbers = #tpu.dot_dimension_numbers<[1], [1], [0], [0], [0, 0, 1, 0], [], []>, transpose_lhs_hint = false} : vector<8x128xf32>, vector<2048x128xf32>, vector<8x2048xf32> -> vector<8x2048xf32>
    %reshape3A = vector.shape_cast %dot_general3A_5 : vector<8x2048xf32> to vector<8x16x128xf32>
    %swap3A = arith.constant 0 : index
    %swap3A_6 = arith.constant 0 : index
    %swap3A_7 = arith.constant 0 : index
    %swap3A_8 = vector.load %arg3[%swap3A, %swap3A_6, %swap3A_7] : memref<8x16x128xf32, #tpu.memory_space<vmem>>, vector<8x16x128xf32>
    tpu.vector_store %arg3[%swap3A, %swap3A_6, %swap3A_7], %reshape3A {strides = array<i32>} : memref<8x16x128xf32, #tpu.memory_space<vmem>>, vector<8x16x128xf32>,
    return
  }
  func.func @transform_0(%arg0: i32) -> (i32, i32) {
    %c0_i32 = arith.constant 0 : i32
    %c0_i32_0 = arith.constant 0 : i32
    return %arg0, %c0_i32 : i32, i32
  }
  func.func @transform_1(%arg0: i32) -> (i32, i32) {
    %c0_i32 = arith.constant 0 : i32
    %c0_i32_0 = arith.constant 0 : i32
    %c0_i32_1 = arith.constant 0 : i32
    return %c0_i32, %c0_i32_0 : i32, i32
  }
  func.func @transform_2(%arg0: i32) -> (i32, i32, i32) {
    %c0_i32 = arith.constant 0 : i32
    %c0_i32_0 = arith.constant 0 : i32
    %c0_i32_1 = arith.constant 0 : i32
    return %c0_i32, %arg0, %c0_i32_0 : i32, i32, i32
  }
}

module attributes {stable_mosaic.version = 14 : i64} {
  func.func @_fin_body(%arg0: i32, %arg1: memref<2x32x16x128xf32, #tpu.memory_space<vmem>>, %arg2: memref<16x128xf32, #tpu.memory_space<vmem>>, %arg3: memref<8x16x128xf32, #tpu.memory_space<vmem>>, %arg4: memref<2x128xf32, #tpu.memory_space<vmem>>, %arg5: memref<2x16x128xf32, #tpu.memory_space<vmem>>) attributes {dimension_semantics = [#tpu.dimension_semantics<arbitrary>], iteration_bounds = array<i64: 5>, scalar_prefetch = 0 : i64, scratch_operands = 0 : i64, tpu.core_type = #tpu.core_type<tc>, window_params = [{transform_indices = @transform_0, window_bounds = array<i64: 2, 32, 16, 128>}, {transform_indices = @transform_1, window_bounds = array<i64: 16, 128>}, {transform_indices = @transform_2, window_bounds = array<i64: 8, 16, 128>}, {pipeline_mode = #tpu.pipeline_mode<synchronous>, transform_indices = @transform_3, window_bounds = array<i64: 2, 128>}, {transform_indices = @transform_4, window_bounds = array<i64: 2, 16, 128>}]} {
    %get3A = arith.constant 0 : index
    %get3A_0 = arith.constant 0 : index
    %get3A_1 = arith.constant 0 : index
    %get3A_2 = arith.constant 0 : index
    %get3A_3 = vector.load %arg1[%get3A, %get3A_0, %get3A_1, %get3A_2] : memref<2x32x16x128xf32, #tpu.memory_space<vmem>>, vector<2x32x16x128xf32>
    %slice3A = vector.extract_strided_slice %get3A_3 {offsets = [0, 0, 0, 0], sizes = [1, 1, 16, 128], strides = [1, 1, 1, 1]} : vector<2x32x16x128xf32> to vector<1x1x16x128xf32>
    %squeeze3A = vector.shape_cast %slice3A : vector<1x1x16x128xf32> to vector<16x128xf32>
    %slice3A_4 = vector.extract_strided_slice %get3A_3 {offsets = [1, 0, 0, 0], sizes = [1, 1, 16, 128], strides = [1, 1, 1, 1]} : vector<2x32x16x128xf32> to vector<1x1x16x128xf32>
    %squeeze3A_5 = vector.shape_cast %slice3A_4 : vector<1x1x16x128xf32> to vector<16x128xf32>
    %slice3A_6 = vector.extract_strided_slice %get3A_3 {offsets = [0, 1, 0, 0], sizes = [1, 1, 16, 128], strides = [1, 1, 1, 1]} : vector<2x32x16x128xf32> to vector<1x1x16x128xf32>
    %squeeze3A_7 = vector.shape_cast %slice3A_6 : vector<1x1x16x128xf32> to vector<16x128xf32>
    %add3A = arith.addf %squeeze3A, %squeeze3A_7 : vector<16x128xf32>
    %slice3A_8 = vector.extract_strided_slice %get3A_3 {offsets = [1, 1, 0, 0], sizes = [1, 1, 16, 128], strides = [1, 1, 1, 1]} : vector<2x32x16x128xf32> to vector<1x1x16x128xf32>
    %squeeze3A_9 = vector.shape_cast %slice3A_8 : vector<1x1x16x128xf32> to vector<16x128xf32>
    %add3A_10 = arith.addf %squeeze3A_5, %squeeze3A_9 : vector<16x128xf32>
    %slice3A_11 = vector.extract_strided_slice %get3A_3 {offsets = [0, 2, 0, 0], sizes = [1, 1, 16, 128], strides = [1, 1, 1, 1]} : vector<2x32x16x128xf32> to vector<1x1x16x128xf32>
    %squeeze3A_12 = vector.shape_cast %slice3A_11 : vector<1x1x16x128xf32> to vector<16x128xf32>
    %add3A_13 = arith.addf %add3A, %squeeze3A_12 : vector<16x128xf32>
    %slice3A_14 = vector.extract_strided_slice %get3A_3 {offsets = [1, 2, 0, 0], sizes = [1, 1, 16, 128], strides = [1, 1, 1, 1]} : vector<2x32x16x128xf32> to vector<1x1x16x128xf32>
    %squeeze3A_15 = vector.shape_cast %slice3A_14 : vector<1x1x16x128xf32> to vector<16x128xf32>
    %add3A_16 = arith.addf %add3A_10, %squeeze3A_15 : vector<16x128xf32>
    %slice3A_17 = vector.extract_strided_slice %get3A_3 {offsets = [0, 3, 0, 0], sizes = [1, 1, 16, 128], strides = [1, 1, 1, 1]} : vector<2x32x16x128xf32> to vector<1x1x16x128xf32>
    %squeeze3A_18 = vector.shape_cast %slice3A_17 : vector<1x1x16x128xf32> to vector<16x128xf32>
    %add3A_19 = arith.addf %add3A_13, %squeeze3A_18 : vector<16x128xf32>
    %slice3A_20 = vector.extract_strided_slice %get3A_3 {offsets = [1, 3, 0, 0], sizes = [1, 1, 16, 128], strides = [1, 1, 1, 1]} : vector<2x32x16x128xf32> to vector<1x1x16x128xf32>
    %squeeze3A_21 = vector.shape_cast %slice3A_20 : vector<1x1x16x128xf32> to vector<16x128xf32>
    %add3A_22 = arith.addf %add3A_16, %squeeze3A_21 : vector<16x128xf32>
    %slice3A_23 = vector.extract_strided_slice %get3A_3 {offsets = [0, 4, 0, 0], sizes = [1, 1, 16, 128], strides = [1, 1, 1, 1]} : vector<2x32x16x128xf32> to vector<1x1x16x128xf32>
    %squeeze3A_24 = vector.shape_cast %slice3A_23 : vector<1x1x16x128xf32> to vector<16x128xf32>
    %add3A_25 = arith.addf %add3A_19, %squeeze3A_24 : vector<16x128xf32>
    %slice3A_26 = vector.extract_strided_slice %get3A_3 {offsets = [1, 4, 0, 0], sizes = [1, 1, 16, 128], strides = [1, 1, 1, 1]} : vector<2x32x16x128xf32> to vector<1x1x16x128xf32>
    %squeeze3A_27 = vector.shape_cast %slice3A_26 : vector<1x1x16x128xf32> to vector<16x128xf32>
    %add3A_28 = arith.addf %add3A_22, %squeeze3A_27 : vector<16x128xf32>
    %slice3A_29 = vector.extract_strided_slice %get3A_3 {offsets = [0, 5, 0, 0], sizes = [1, 1, 16, 128], strides = [1, 1, 1, 1]} : vector<2x32x16x128xf32> to vector<1x1x16x128xf32>
    %squeeze3A_30 = vector.shape_cast %slice3A_29 : vector<1x1x16x128xf32> to vector<16x128xf32>
    %add3A_31 = arith.addf %add3A_25, %squeeze3A_30 : vector<16x128xf32>
    %slice3A_32 = vector.extract_strided_slice %get3A_3 {offsets = [1, 5, 0, 0], sizes = [1, 1, 16, 128], strides = [1, 1, 1, 1]} : vector<2x32x16x128xf32> to vector<1x1x16x128xf32>
    %squeeze3A_33 = vector.shape_cast %slice3A_32 : vector<1x1x16x128xf32> to vector<16x128xf32>
    %add3A_34 = arith.addf %add3A_28, %squeeze3A_33 : vector<16x128xf32>
    %slice3A_35 = vector.extract_strided_slice %get3A_3 {offsets = [0, 6, 0, 0], sizes = [1, 1, 16, 128], strides = [1, 1, 1, 1]} : vector<2x32x16x128xf32> to vector<1x1x16x128xf32>
    %squeeze3A_36 = vector.shape_cast %slice3A_35 : vector<1x1x16x128xf32> to vector<16x128xf32>
    %add3A_37 = arith.addf %add3A_31, %squeeze3A_36 : vector<16x128xf32>
    %slice3A_38 = vector.extract_strided_slice %get3A_3 {offsets = [1, 6, 0, 0], sizes = [1, 1, 16, 128], strides = [1, 1, 1, 1]} : vector<2x32x16x128xf32> to vector<1x1x16x128xf32>
    %squeeze3A_39 = vector.shape_cast %slice3A_38 : vector<1x1x16x128xf32> to vector<16x128xf32>
    %add3A_40 = arith.addf %add3A_34, %squeeze3A_39 : vector<16x128xf32>
    %slice3A_41 = vector.extract_strided_slice %get3A_3 {offsets = [0, 7, 0, 0], sizes = [1, 1, 16, 128], strides = [1, 1, 1, 1]} : vector<2x32x16x128xf32> to vector<1x1x16x128xf32>
    %squeeze3A_42 = vector.shape_cast %slice3A_41 : vector<1x1x16x128xf32> to vector<16x128xf32>
    %add3A_43 = arith.addf %add3A_37, %squeeze3A_42 : vector<16x128xf32>
    %slice3A_44 = vector.extract_strided_slice %get3A_3 {offsets = [1, 7, 0, 0], sizes = [1, 1, 16, 128], strides = [1, 1, 1, 1]} : vector<2x32x16x128xf32> to vector<1x1x16x128xf32>
    %squeeze3A_45 = vector.shape_cast %slice3A_44 : vector<1x1x16x128xf32> to vector<16x128xf32>
    %add3A_46 = arith.addf %add3A_40, %squeeze3A_45 : vector<16x128xf32>
    %slice3A_47 = vector.extract_strided_slice %get3A_3 {offsets = [0, 8, 0, 0], sizes = [1, 1, 16, 128], strides = [1, 1, 1, 1]} : vector<2x32x16x128xf32> to vector<1x1x16x128xf32>
    %squeeze3A_48 = vector.shape_cast %slice3A_47 : vector<1x1x16x128xf32> to vector<16x128xf32>
    %add3A_49 = arith.addf %add3A_43, %squeeze3A_48 : vector<16x128xf32>
    %slice3A_50 = vector.extract_strided_slice %get3A_3 {offsets = [1, 8, 0, 0], sizes = [1, 1, 16, 128], strides = [1, 1, 1, 1]} : vector<2x32x16x128xf32> to vector<1x1x16x128xf32>
    %squeeze3A_51 = vector.shape_cast %slice3A_50 : vector<1x1x16x128xf32> to vector<16x128xf32>
    %add3A_52 = arith.addf %add3A_46, %squeeze3A_51 : vector<16x128xf32>
    %slice3A_53 = vector.extract_strided_slice %get3A_3 {offsets = [0, 9, 0, 0], sizes = [1, 1, 16, 128], strides = [1, 1, 1, 1]} : vector<2x32x16x128xf32> to vector<1x1x16x128xf32>
    %squeeze3A_54 = vector.shape_cast %slice3A_53 : vector<1x1x16x128xf32> to vector<16x128xf32>
    %add3A_55 = arith.addf %add3A_49, %squeeze3A_54 : vector<16x128xf32>
    %slice3A_56 = vector.extract_strided_slice %get3A_3 {offsets = [1, 9, 0, 0], sizes = [1, 1, 16, 128], strides = [1, 1, 1, 1]} : vector<2x32x16x128xf32> to vector<1x1x16x128xf32>
    %squeeze3A_57 = vector.shape_cast %slice3A_56 : vector<1x1x16x128xf32> to vector<16x128xf32>
    %add3A_58 = arith.addf %add3A_52, %squeeze3A_57 : vector<16x128xf32>
    %slice3A_59 = vector.extract_strided_slice %get3A_3 {offsets = [0, 10, 0, 0], sizes = [1, 1, 16, 128], strides = [1, 1, 1, 1]} : vector<2x32x16x128xf32> to vector<1x1x16x128xf32>
    %squeeze3A_60 = vector.shape_cast %slice3A_59 : vector<1x1x16x128xf32> to vector<16x128xf32>
    %add3A_61 = arith.addf %add3A_55, %squeeze3A_60 : vector<16x128xf32>
    %slice3A_62 = vector.extract_strided_slice %get3A_3 {offsets = [1, 10, 0, 0], sizes = [1, 1, 16, 128], strides = [1, 1, 1, 1]} : vector<2x32x16x128xf32> to vector<1x1x16x128xf32>
    %squeeze3A_63 = vector.shape_cast %slice3A_62 : vector<1x1x16x128xf32> to vector<16x128xf32>
    %add3A_64 = arith.addf %add3A_58, %squeeze3A_63 : vector<16x128xf32>
    %slice3A_65 = vector.extract_strided_slice %get3A_3 {offsets = [0, 11, 0, 0], sizes = [1, 1, 16, 128], strides = [1, 1, 1, 1]} : vector<2x32x16x128xf32> to vector<1x1x16x128xf32>
    %squeeze3A_66 = vector.shape_cast %slice3A_65 : vector<1x1x16x128xf32> to vector<16x128xf32>
    %add3A_67 = arith.addf %add3A_61, %squeeze3A_66 : vector<16x128xf32>
    %slice3A_68 = vector.extract_strided_slice %get3A_3 {offsets = [1, 11, 0, 0], sizes = [1, 1, 16, 128], strides = [1, 1, 1, 1]} : vector<2x32x16x128xf32> to vector<1x1x16x128xf32>
    %squeeze3A_69 = vector.shape_cast %slice3A_68 : vector<1x1x16x128xf32> to vector<16x128xf32>
    %add3A_70 = arith.addf %add3A_64, %squeeze3A_69 : vector<16x128xf32>
    %slice3A_71 = vector.extract_strided_slice %get3A_3 {offsets = [0, 12, 0, 0], sizes = [1, 1, 16, 128], strides = [1, 1, 1, 1]} : vector<2x32x16x128xf32> to vector<1x1x16x128xf32>
    %squeeze3A_72 = vector.shape_cast %slice3A_71 : vector<1x1x16x128xf32> to vector<16x128xf32>
    %add3A_73 = arith.addf %add3A_67, %squeeze3A_72 : vector<16x128xf32>
    %slice3A_74 = vector.extract_strided_slice %get3A_3 {offsets = [1, 12, 0, 0], sizes = [1, 1, 16, 128], strides = [1, 1, 1, 1]} : vector<2x32x16x128xf32> to vector<1x1x16x128xf32>
    %squeeze3A_75 = vector.shape_cast %slice3A_74 : vector<1x1x16x128xf32> to vector<16x128xf32>
    %add3A_76 = arith.addf %add3A_70, %squeeze3A_75 : vector<16x128xf32>
    %slice3A_77 = vector.extract_strided_slice %get3A_3 {offsets = [0, 13, 0, 0], sizes = [1, 1, 16, 128], strides = [1, 1, 1, 1]} : vector<2x32x16x128xf32> to vector<1x1x16x128xf32>
    %squeeze3A_78 = vector.shape_cast %slice3A_77 : vector<1x1x16x128xf32> to vector<16x128xf32>
    %add3A_79 = arith.addf %add3A_73, %squeeze3A_78 : vector<16x128xf32>
    %slice3A_80 = vector.extract_strided_slice %get3A_3 {offsets = [1, 13, 0, 0], sizes = [1, 1, 16, 128], strides = [1, 1, 1, 1]} : vector<2x32x16x128xf32> to vector<1x1x16x128xf32>
    %squeeze3A_81 = vector.shape_cast %slice3A_80 : vector<1x1x16x128xf32> to vector<16x128xf32>
    %add3A_82 = arith.addf %add3A_76, %squeeze3A_81 : vector<16x128xf32>
    %slice3A_83 = vector.extract_strided_slice %get3A_3 {offsets = [0, 14, 0, 0], sizes = [1, 1, 16, 128], strides = [1, 1, 1, 1]} : vector<2x32x16x128xf32> to vector<1x1x16x128xf32>
    %squeeze3A_84 = vector.shape_cast %slice3A_83 : vector<1x1x16x128xf32> to vector<16x128xf32>
    %add3A_85 = arith.addf %add3A_79, %squeeze3A_84 : vector<16x128xf32>
    %slice3A_86 = vector.extract_strided_slice %get3A_3 {offsets = [1, 14, 0, 0], sizes = [1, 1, 16, 128], strides = [1, 1, 1, 1]} : vector<2x32x16x128xf32> to vector<1x1x16x128xf32>
    %squeeze3A_87 = vector.shape_cast %slice3A_86 : vector<1x1x16x128xf32> to vector<16x128xf32>
    %add3A_88 = arith.addf %add3A_82, %squeeze3A_87 : vector<16x128xf32>
    %slice3A_89 = vector.extract_strided_slice %get3A_3 {offsets = [0, 15, 0, 0], sizes = [1, 1, 16, 128], strides = [1, 1, 1, 1]} : vector<2x32x16x128xf32> to vector<1x1x16x128xf32>
    %squeeze3A_90 = vector.shape_cast %slice3A_89 : vector<1x1x16x128xf32> to vector<16x128xf32>
    %add3A_91 = arith.addf %add3A_85, %squeeze3A_90 : vector<16x128xf32>
    %slice3A_92 = vector.extract_strided_slice %get3A_3 {offsets = [1, 15, 0, 0], sizes = [1, 1, 16, 128], strides = [1, 1, 1, 1]} : vector<2x32x16x128xf32> to vector<1x1x16x128xf32>
    %squeeze3A_93 = vector.shape_cast %slice3A_92 : vector<1x1x16x128xf32> to vector<16x128xf32>
    %add3A_94 = arith.addf %add3A_88, %squeeze3A_93 : vector<16x128xf32>
    %slice3A_95 = vector.extract_strided_slice %get3A_3 {offsets = [0, 16, 0, 0], sizes = [1, 1, 16, 128], strides = [1, 1, 1, 1]} : vector<2x32x16x128xf32> to vector<1x1x16x128xf32>
    %squeeze3A_96 = vector.shape_cast %slice3A_95 : vector<1x1x16x128xf32> to vector<16x128xf32>
    %add3A_97 = arith.addf %add3A_91, %squeeze3A_96 : vector<16x128xf32>
    %slice3A_98 = vector.extract_strided_slice %get3A_3 {offsets = [1, 16, 0, 0], sizes = [1, 1, 16, 128], strides = [1, 1, 1, 1]} : vector<2x32x16x128xf32> to vector<1x1x16x128xf32>
    %squeeze3A_99 = vector.shape_cast %slice3A_98 : vector<1x1x16x128xf32> to vector<16x128xf32>
    %add3A_100 = arith.addf %add3A_94, %squeeze3A_99 : vector<16x128xf32>
    %slice3A_101 = vector.extract_strided_slice %get3A_3 {offsets = [0, 17, 0, 0], sizes = [1, 1, 16, 128], strides = [1, 1, 1, 1]} : vector<2x32x16x128xf32> to vector<1x1x16x128xf32>
    %squeeze3A_102 = vector.shape_cast %slice3A_101 : vector<1x1x16x128xf32> to vector<16x128xf32>
    %add3A_103 = arith.addf %add3A_97, %squeeze3A_102 : vector<16x128xf32>
    %slice3A_104 = vector.extract_strided_slice %get3A_3 {offsets = [1, 17, 0, 0], sizes = [1, 1, 16, 128], strides = [1, 1, 1, 1]} : vector<2x32x16x128xf32> to vector<1x1x16x128xf32>
    %squeeze3A_105 = vector.shape_cast %slice3A_104 : vector<1x1x16x128xf32> to vector<16x128xf32>
    %add3A_106 = arith.addf %add3A_100, %squeeze3A_105 : vector<16x128xf32>
    %slice3A_107 = vector.extract_strided_slice %get3A_3 {offsets = [0, 18, 0, 0], sizes = [1, 1, 16, 128], strides = [1, 1, 1, 1]} : vector<2x32x16x128xf32> to vector<1x1x16x128xf32>
    %squeeze3A_108 = vector.shape_cast %slice3A_107 : vector<1x1x16x128xf32> to vector<16x128xf32>
    %add3A_109 = arith.addf %add3A_103, %squeeze3A_108 : vector<16x128xf32>
    %slice3A_110 = vector.extract_strided_slice %get3A_3 {offsets = [1, 18, 0, 0], sizes = [1, 1, 16, 128], strides = [1, 1, 1, 1]} : vector<2x32x16x128xf32> to vector<1x1x16x128xf32>
    %squeeze3A_111 = vector.shape_cast %slice3A_110 : vector<1x1x16x128xf32> to vector<16x128xf32>
    %add3A_112 = arith.addf %add3A_106, %squeeze3A_111 : vector<16x128xf32>
    %slice3A_113 = vector.extract_strided_slice %get3A_3 {offsets = [0, 19, 0, 0], sizes = [1, 1, 16, 128], strides = [1, 1, 1, 1]} : vector<2x32x16x128xf32> to vector<1x1x16x128xf32>
    %squeeze3A_114 = vector.shape_cast %slice3A_113 : vector<1x1x16x128xf32> to vector<16x128xf32>
    %add3A_115 = arith.addf %add3A_109, %squeeze3A_114 : vector<16x128xf32>
    %slice3A_116 = vector.extract_strided_slice %get3A_3 {offsets = [1, 19, 0, 0], sizes = [1, 1, 16, 128], strides = [1, 1, 1, 1]} : vector<2x32x16x128xf32> to vector<1x1x16x128xf32>
    %squeeze3A_117 = vector.shape_cast %slice3A_116 : vector<1x1x16x128xf32> to vector<16x128xf32>
    %add3A_118 = arith.addf %add3A_112, %squeeze3A_117 : vector<16x128xf32>
    %slice3A_119 = vector.extract_strided_slice %get3A_3 {offsets = [0, 20, 0, 0], sizes = [1, 1, 16, 128], strides = [1, 1, 1, 1]} : vector<2x32x16x128xf32> to vector<1x1x16x128xf32>
    %squeeze3A_120 = vector.shape_cast %slice3A_119 : vector<1x1x16x128xf32> to vector<16x128xf32>
    %add3A_121 = arith.addf %add3A_115, %squeeze3A_120 : vector<16x128xf32>
    %slice3A_122 = vector.extract_strided_slice %get3A_3 {offsets = [1, 20, 0, 0], sizes = [1, 1, 16, 128], strides = [1, 1, 1, 1]} : vector<2x32x16x128xf32> to vector<1x1x16x128xf32>
    %squeeze3A_123 = vector.shape_cast %slice3A_122 : vector<1x1x16x128xf32> to vector<16x128xf32>
    %add3A_124 = arith.addf %add3A_118, %squeeze3A_123 : vector<16x128xf32>
    %slice3A_125 = vector.extract_strided_slice %get3A_3 {offsets = [0, 21, 0, 0], sizes = [1, 1, 16, 128], strides = [1, 1, 1, 1]} : vector<2x32x16x128xf32> to vector<1x1x16x128xf32>
    %squeeze3A_126 = vector.shape_cast %slice3A_125 : vector<1x1x16x128xf32> to vector<16x128xf32>
    %add3A_127 = arith.addf %add3A_121, %squeeze3A_126 : vector<16x128xf32>
    %slice3A_128 = vector.extract_strided_slice %get3A_3 {offsets = [1, 21, 0, 0], sizes = [1, 1, 16, 128], strides = [1, 1, 1, 1]} : vector<2x32x16x128xf32> to vector<1x1x16x128xf32>
    %squeeze3A_129 = vector.shape_cast %slice3A_128 : vector<1x1x16x128xf32> to vector<16x128xf32>
    %add3A_130 = arith.addf %add3A_124, %squeeze3A_129 : vector<16x128xf32>
    %slice3A_131 = vector.extract_strided_slice %get3A_3 {offsets = [0, 22, 0, 0], sizes = [1, 1, 16, 128], strides = [1, 1, 1, 1]} : vector<2x32x16x128xf32> to vector<1x1x16x128xf32>
    %squeeze3A_132 = vector.shape_cast %slice3A_131 : vector<1x1x16x128xf32> to vector<16x128xf32>
    %add3A_133 = arith.addf %add3A_127, %squeeze3A_132 : vector<16x128xf32>
    %slice3A_134 = vector.extract_strided_slice %get3A_3 {offsets = [1, 22, 0, 0], sizes = [1, 1, 16, 128], strides = [1, 1, 1, 1]} : vector<2x32x16x128xf32> to vector<1x1x16x128xf32>
    %squeeze3A_135 = vector.shape_cast %slice3A_134 : vector<1x1x16x128xf32> to vector<16x128xf32>
    %add3A_136 = arith.addf %add3A_130, %squeeze3A_135 : vector<16x128xf32>
    %slice3A_137 = vector.extract_strided_slice %get3A_3 {offsets = [0, 23, 0, 0], sizes = [1, 1, 16, 128], strides = [1, 1, 1, 1]} : vector<2x32x16x128xf32> to vector<1x1x16x128xf32>
    %squeeze3A_138 = vector.shape_cast %slice3A_137 : vector<1x1x16x128xf32> to vector<16x128xf32>
    %add3A_139 = arith.addf %add3A_133, %squeeze3A_138 : vector<16x128xf32>
    %slice3A_140 = vector.extract_strided_slice %get3A_3 {offsets = [1, 23, 0, 0], sizes = [1, 1, 16, 128], strides = [1, 1, 1, 1]} : vector<2x32x16x128xf32> to vector<1x1x16x128xf32>
    %squeeze3A_141 = vector.shape_cast %slice3A_140 : vector<1x1x16x128xf32> to vector<16x128xf32>
    %add3A_142 = arith.addf %add3A_136, %squeeze3A_141 : vector<16x128xf32>
    %slice3A_143 = vector.extract_strided_slice %get3A_3 {offsets = [0, 24, 0, 0], sizes = [1, 1, 16, 128], strides = [1, 1, 1, 1]} : vector<2x32x16x128xf32> to vector<1x1x16x128xf32>
    %squeeze3A_144 = vector.shape_cast %slice3A_143 : vector<1x1x16x128xf32> to vector<16x128xf32>
    %add3A_145 = arith.addf %add3A_139, %squeeze3A_144 : vector<16x128xf32>
    %slice3A_146 = vector.extract_strided_slice %get3A_3 {offsets = [1, 24, 0, 0], sizes = [1, 1, 16, 128], strides = [1, 1, 1, 1]} : vector<2x32x16x128xf32> to vector<1x1x16x128xf32>
    %squeeze3A_147 = vector.shape_cast %slice3A_146 : vector<1x1x16x128xf32> to vector<16x128xf32>
    %add3A_148 = arith.addf %add3A_142, %squeeze3A_147 : vector<16x128xf32>
    %slice3A_149 = vector.extract_strided_slice %get3A_3 {offsets = [0, 25, 0, 0], sizes = [1, 1, 16, 128], strides = [1, 1, 1, 1]} : vector<2x32x16x128xf32> to vector<1x1x16x128xf32>
    %squeeze3A_150 = vector.shape_cast %slice3A_149 : vector<1x1x16x128xf32> to vector<16x128xf32>
    %add3A_151 = arith.addf %add3A_145, %squeeze3A_150 : vector<16x128xf32>
    %slice3A_152 = vector.extract_strided_slice %get3A_3 {offsets = [1, 25, 0, 0], sizes = [1, 1, 16, 128], strides = [1, 1, 1, 1]} : vector<2x32x16x128xf32> to vector<1x1x16x128xf32>
    %squeeze3A_153 = vector.shape_cast %slice3A_152 : vector<1x1x16x128xf32> to vector<16x128xf32>
    %add3A_154 = arith.addf %add3A_148, %squeeze3A_153 : vector<16x128xf32>
    %slice3A_155 = vector.extract_strided_slice %get3A_3 {offsets = [0, 26, 0, 0], sizes = [1, 1, 16, 128], strides = [1, 1, 1, 1]} : vector<2x32x16x128xf32> to vector<1x1x16x128xf32>
    %squeeze3A_156 = vector.shape_cast %slice3A_155 : vector<1x1x16x128xf32> to vector<16x128xf32>
    %add3A_157 = arith.addf %add3A_151, %squeeze3A_156 : vector<16x128xf32>
    %slice3A_158 = vector.extract_strided_slice %get3A_3 {offsets = [1, 26, 0, 0], sizes = [1, 1, 16, 128], strides = [1, 1, 1, 1]} : vector<2x32x16x128xf32> to vector<1x1x16x128xf32>
    %squeeze3A_159 = vector.shape_cast %slice3A_158 : vector<1x1x16x128xf32> to vector<16x128xf32>
    %add3A_160 = arith.addf %add3A_154, %squeeze3A_159 : vector<16x128xf32>
    %slice3A_161 = vector.extract_strided_slice %get3A_3 {offsets = [0, 27, 0, 0], sizes = [1, 1, 16, 128], strides = [1, 1, 1, 1]} : vector<2x32x16x128xf32> to vector<1x1x16x128xf32>
    %squeeze3A_162 = vector.shape_cast %slice3A_161 : vector<1x1x16x128xf32> to vector<16x128xf32>
    %add3A_163 = arith.addf %add3A_157, %squeeze3A_162 : vector<16x128xf32>
    %slice3A_164 = vector.extract_strided_slice %get3A_3 {offsets = [1, 27, 0, 0], sizes = [1, 1, 16, 128], strides = [1, 1, 1, 1]} : vector<2x32x16x128xf32> to vector<1x1x16x128xf32>
    %squeeze3A_165 = vector.shape_cast %slice3A_164 : vector<1x1x16x128xf32> to vector<16x128xf32>
    %add3A_166 = arith.addf %add3A_160, %squeeze3A_165 : vector<16x128xf32>
    %slice3A_167 = vector.extract_strided_slice %get3A_3 {offsets = [0, 28, 0, 0], sizes = [1, 1, 16, 128], strides = [1, 1, 1, 1]} : vector<2x32x16x128xf32> to vector<1x1x16x128xf32>
    %squeeze3A_168 = vector.shape_cast %slice3A_167 : vector<1x1x16x128xf32> to vector<16x128xf32>
    %add3A_169 = arith.addf %add3A_163, %squeeze3A_168 : vector<16x128xf32>
    %slice3A_170 = vector.extract_strided_slice %get3A_3 {offsets = [1, 28, 0, 0], sizes = [1, 1, 16, 128], strides = [1, 1, 1, 1]} : vector<2x32x16x128xf32> to vector<1x1x16x128xf32>
    %squeeze3A_171 = vector.shape_cast %slice3A_170 : vector<1x1x16x128xf32> to vector<16x128xf32>
    %add3A_172 = arith.addf %add3A_166, %squeeze3A_171 : vector<16x128xf32>
    %slice3A_173 = vector.extract_strided_slice %get3A_3 {offsets = [0, 29, 0, 0], sizes = [1, 1, 16, 128], strides = [1, 1, 1, 1]} : vector<2x32x16x128xf32> to vector<1x1x16x128xf32>
    %squeeze3A_174 = vector.shape_cast %slice3A_173 : vector<1x1x16x128xf32> to vector<16x128xf32>
    %add3A_175 = arith.addf %add3A_169, %squeeze3A_174 : vector<16x128xf32>
    %slice3A_176 = vector.extract_strided_slice %get3A_3 {offsets = [1, 29, 0, 0], sizes = [1, 1, 16, 128], strides = [1, 1, 1, 1]} : vector<2x32x16x128xf32> to vector<1x1x16x128xf32>
    %squeeze3A_177 = vector.shape_cast %slice3A_176 : vector<1x1x16x128xf32> to vector<16x128xf32>
    %add3A_178 = arith.addf %add3A_172, %squeeze3A_177 : vector<16x128xf32>
    %slice3A_179 = vector.extract_strided_slice %get3A_3 {offsets = [0, 30, 0, 0], sizes = [1, 1, 16, 128], strides = [1, 1, 1, 1]} : vector<2x32x16x128xf32> to vector<1x1x16x128xf32>
    %squeeze3A_180 = vector.shape_cast %slice3A_179 : vector<1x1x16x128xf32> to vector<16x128xf32>
    %add3A_181 = arith.addf %add3A_175, %squeeze3A_180 : vector<16x128xf32>
    %slice3A_182 = vector.extract_strided_slice %get3A_3 {offsets = [1, 30, 0, 0], sizes = [1, 1, 16, 128], strides = [1, 1, 1, 1]} : vector<2x32x16x128xf32> to vector<1x1x16x128xf32>
    %squeeze3A_183 = vector.shape_cast %slice3A_182 : vector<1x1x16x128xf32> to vector<16x128xf32>
    %add3A_184 = arith.addf %add3A_178, %squeeze3A_183 : vector<16x128xf32>
    %slice3A_185 = vector.extract_strided_slice %get3A_3 {offsets = [0, 31, 0, 0], sizes = [1, 1, 16, 128], strides = [1, 1, 1, 1]} : vector<2x32x16x128xf32> to vector<1x1x16x128xf32>
    %squeeze3A_186 = vector.shape_cast %slice3A_185 : vector<1x1x16x128xf32> to vector<16x128xf32>
    %add3A_187 = arith.addf %add3A_181, %squeeze3A_186 : vector<16x128xf32>
    %slice3A_188 = vector.extract_strided_slice %get3A_3 {offsets = [1, 31, 0, 0], sizes = [1, 1, 16, 128], strides = [1, 1, 1, 1]} : vector<2x32x16x128xf32> to vector<1x1x16x128xf32>
    %squeeze3A_189 = vector.shape_cast %slice3A_188 : vector<1x1x16x128xf32> to vector<16x128xf32>
    %add3A_190 = arith.addf %add3A_184, %squeeze3A_189 : vector<16x128xf32>
    %get3A_191 = arith.constant 0 : index
    %get3A_192 = arith.constant 0 : index
    %get3A_193 = vector.load %arg2[%get3A_191, %get3A_192] : memref<16x128xf32, #tpu.memory_space<vmem>>, vector<16x128xf32>
    %mul3A = arith.mulf %get3A_193, %get3A_193 : vector<16x128xf32>
    %get3A_194 = arith.constant 0 : index
    %get3A_195 = arith.constant 0 : index
    %get3A_196 = arith.constant 0 : index
    %get3A_197 = vector.load %arg3[%get3A_194, %get3A_195, %get3A_196] : memref<8x16x128xf32, #tpu.memory_space<vmem>>, vector<8x16x128xf32>
    %get3A_198 = arith.constant 0 : index
    %get3A_199 = arith.constant 0 : index
    %get3A_200 = vector.load %arg4[%get3A_198, %get3A_199] : memref<2x128xf32, #tpu.memory_space<vmem>>, vector<2x128xf32>
    %mul3A_201 = arith.mulf %get3A_193, %add3A_187 : vector<16x128xf32>
    %slice3A_202 = vector.extract_strided_slice %get3A_197 {offsets = [0, 0, 0], sizes = [1, 16, 128], strides = [1, 1, 1]} : vector<8x16x128xf32> to vector<1x16x128xf32>
    %squeeze3A_203 = vector.shape_cast %slice3A_202 : vector<1x16x128xf32> to vector<16x128xf32>
    %mul3A_204 = arith.mulf %mul3A, %squeeze3A_203 : vector<16x128xf32>
    %add3A_205 = arith.addf %mul3A_201, %mul3A_204 : vector<16x128xf32>
    %slice3A_206 = vector.extract_strided_slice %get3A_200 {offsets = [0, 0], sizes = [1, 1], strides = [1, 1]} : vector<2x128xf32> to vector<1x1xf32>
    %squeeze3A_207 = vector.extract %slice3A_206[0, 0] : f32 from vector<1x1xf32>
    %add3A_208 = vector.broadcast %squeeze3A_207 : f32 to vector<16x128xf32>
    %add3A_209 = arith.addf %add3A_205, %add3A_208 : vector<16x128xf32>
    %mul3A_210 = arith.mulf %get3A_193, %add3A_190 : vector<16x128xf32>
    %slice3A_211 = vector.extract_strided_slice %get3A_197 {offsets = [1, 0, 0], sizes = [1, 16, 128], strides = [1, 1, 1]} : vector<8x16x128xf32> to vector<1x16x128xf32>
    %squeeze3A_212 = vector.shape_cast %slice3A_211 : vector<1x16x128xf32> to vector<16x128xf32>
    %mul3A_213 = arith.mulf %mul3A, %squeeze3A_212 : vector<16x128xf32>
    %add3A_214 = arith.addf %mul3A_210, %mul3A_213 : vector<16x128xf32>
    %slice3A_215 = vector.extract_strided_slice %get3A_200 {offsets = [1, 0], sizes = [1, 1], strides = [1, 1]} : vector<2x128xf32> to vector<1x1xf32>
    %squeeze3A_216 = vector.extract %slice3A_215[0, 0] : f32 from vector<1x1xf32>
    %add3A_217 = vector.broadcast %squeeze3A_216 : f32 to vector<16x128xf32>
    %add3A_218 = arith.addf %add3A_214, %add3A_217 : vector<16x128xf32>
    %max3A = arith.maximumf %add3A_209, %add3A_218 : vector<16x128xf32>
    %sub3A = arith.subf %add3A_209, %max3A : vector<16x128xf32>
    %exp3A = math.exp %sub3A : vector<16x128xf32>
    %sub3A_219 = arith.subf %add3A_218, %max3A : vector<16x128xf32>
    %exp3A_220 = math.exp %sub3A_219 : vector<16x128xf32>
    %add3A_221 = arith.addf %exp3A, %exp3A_220 : vector<16x128xf32>
    %log3A = math.log %add3A_221 : vector<16x128xf32>
    %add3A_222 = arith.addf %max3A, %log3A : vector<16x128xf32>
    %sub3A_223 = arith.subf %add3A_209, %add3A_222 : vector<16x128xf32>
    %sub3A_224 = arith.subf %add3A_218, %add3A_222 : vector<16x128xf32>
    %stack3A = vector.shape_cast %sub3A_223 : vector<16x128xf32> to vector<1x16x128xf32>
    %stack3A_225 = vector.shape_cast %sub3A_224 : vector<16x128xf32> to vector<1x16x128xf32>
    %stack3A_226 = tpu.concatenate %stack3A, %stack3A_225 in 0 : vector<1x16x128xf32>, vector<1x16x128xf32> -> vector<2x16x128xf32>
    %swap3A = arith.constant 0 : index
    %swap3A_227 = arith.constant 0 : index
    %swap3A_228 = arith.constant 0 : index
    %swap3A_229 = vector.load %arg5[%swap3A, %swap3A_227, %swap3A_228] : memref<2x16x128xf32, #tpu.memory_space<vmem>>, vector<2x16x128xf32>
    tpu.vector_store %arg5[%swap3A, %swap3A_227, %swap3A_228], %stack3A_226 {strides = array<i32>} : memref<2x16x128xf32, #tpu.memory_space<vmem>>, vector<2x16x128xf32>,
    return
  }
  func.func @transform_0(%arg0: i32) -> (i32, i32, i32, i32) {
    %c0_i32 = arith.constant 0 : i32
    %c0_i32_0 = arith.constant 0 : i32
    %c0_i32_1 = arith.constant 0 : i32
    %c0_i32_2 = arith.constant 0 : i32
    return %c0_i32, %c0_i32_0, %arg0, %c0_i32_1 : i32, i32, i32, i32
  }
  func.func @transform_1(%arg0: i32) -> (i32, i32) {
    %c0_i32 = arith.constant 0 : i32
    %c0_i32_0 = arith.constant 0 : i32
    return %arg0, %c0_i32 : i32, i32
  }
  func.func @transform_2(%arg0: i32) -> (i32, i32, i32) {
    %c0_i32 = arith.constant 0 : i32
    %c0_i32_0 = arith.constant 0 : i32
    %c0_i32_1 = arith.constant 0 : i32
    return %c0_i32, %arg0, %c0_i32_0 : i32, i32, i32
  }
  func.func @transform_3(%arg0: i32) -> (i32, i32) {
    %c0_i32 = arith.constant 0 : i32
    %c0_i32_0 = arith.constant 0 : i32
    %c0_i32_1 = arith.constant 0 : i32
    return %c0_i32, %c0_i32_0 : i32, i32
  }
  func.func @transform_4(%arg0: i32) -> (i32, i32, i32) {
    %c0_i32 = arith.constant 0 : i32
    %c0_i32_0 = arith.constant 0 : i32
    %c0_i32_1 = arith.constant 0 : i32
    return %c0_i32, %arg0, %c0_i32_0 : i32, i32, i32
  }
}

</mosaic_0001>

<sc_bundles>
// kernel: kernel.5.cloned.1.call-start
scs
__scs_entry_jumppad:
0x0: {  	(pc) =	sbr.rel $0x88, $3  }
0x1: {  	(tag) =	ssettag $0x0;
	lr =	simm.s32 $0x1  }
0x2: {  	[smem:$0x3F9D] =	sst lr;
	_ =	strace $0xD0000000  }
0x3: {  	_ = 	snop  }
0x4: {  	_ = 	snop  }
0x5: {  	_ = 	snop  }
0x6: {  	_ = 	snop  }
0x7: {  	_ = 	snop  }
__scs_overlays_trampoline_lowered:
0x8: {  	[smem:$0x3FAC] =	sst s0  }
0x9: {  	[smem:$0x3FAD] =	sst s1  }
0xa: {  	[smem:$0x3FAE] =	sst s2  }
0xb: {  	[smem:$0x3FAF] =	sst s3  }
0xc: {  	[smem:$0x3FB0] =	sst s4  }
0xd: {  	[smem:$0x3FB1] =	sst s5  }
0xe: {  	[smem:$0x3FB2] =	sst s6  }
0xf: {  	[smem:$0x3FB3] =	sst s7  }
0x10: {  	[smem:$0x3FB4] =	sst s8  }
0x11: {  	[smem:$0x3FB5] =	sst s9;
	s0 =	simm.s32 @!p0 $0x0  }
0x12: {  	s1 =	sld [smem:$0x3F9B];
	s0 =	simm.s32 @p0 $0x1  }
0x13: {  	[smem:$0x3FB6] =	sst s0;
	s0 =	simm.s32 @!p1 $0x0  }
0x14: {  	s2 =	sld [smem:$0x3F9A];
	s0 =	simm.s32 @p1 $0x1  }
0x15: {  	[smem:$0x3FB7] =	sst s0;
	s0 =	simm.s32 @!p2 $0x0  }
0x16: {  	s3 =	sld [smem:$0x3FDB];
	s0 =	simm.s32 @p2 $0x1  }
0x17: {  	s4 =	simm.s32 $0x1BF5;
	[smem:$0x3FB9] =	sst s0  }
0x18: {  	s0 =	sld [smem:$0x3F9C];
	_ =	swait.ge [sflag:s4], $0x0  }
0x19: {  	s7 =	sld [smem:$0x3F9D]  }
0x1a: {  	s8 =	sadd.s32 $0xFFFFE003, lr  }
0x1b: {  	s9 =	sadd.s32 $0xFFFFFEF7, lr;
	s5 =	simm.s32 $0xFFFFFFFF;
	p2 =	slt.u32 s8, $0xFFFFF086  }
0x1c: {  	p1 =	slt.u32 s9, $0xF7A;
	s5 =	simm.s32 @!p2 $0x0  }
0x1d: {  	s5 =	simm.s32 @p1 $0x1;
	p0 =	seq.s32 s7, s2  }
0x1e: {  	s7 =	smul.u32 @!p0 $0xF7A, s2;
	p2 =	seq.s32 @!p0 s5, $0x0  }
0x1f: {  	s9 =	smul.u32 $0xF7A, s1;
	s8 =	simm.s32 @!p0 $0x1BF5;
	p2 =	por !p2, p0  }
0x20: {  	[sflag:s8] =	ssyncset.s32 @!p0 $0xFFFFF086;
	s6 =	sadd.s32 @!p0 s3, s7;
	s7 =	simm.s32 @!p0 $0x108  }
0x21: {  	s3 =	sadd.s32 s3, s9;
	s6 =	sadd.s32 @!p0 $0x88, s6;
	s7 =	simm.s32 @p2 $0x1082  }
0x22: {  	[simem:s7], [sflag:s8] =	dma.local @!p0 [hbm:s6], $0xF7A  }
0x23: {  	s9 =	sor.u32 $0xD0000000, s2;
	s6 =	simm.s32 $0x108;
	_ =	swait.ge @!p0 [sflag:s8], $0x0  }
0x24: {  	s3 =	sadd.s32 $0x88, s3;
	s6 =	simm.s32 @!p1 $0x1082;
	[sflag:s4] =	ssyncset.s32 $0xFFFFF086  }
0x25: {  	[simem:s6], [sflag:s4] =	dma.local [hbm:s3], $0xF7A  }
0x26: {  	[smem:$0x3F9D] =	sst s1;
	(tag) =	ssettag s2;
	_ =	strace s9  }
0x27: {  	s1 =	sld [smem:$0x3FAD]  }
0x28: {  	s2 =	sld [smem:$0x3FAE]  }
0x29: {  	s4 =	sld [smem:$0x3FB0]  }
0x2a: {  	p0 =	seq.s32 s5, $0x0;
	s5 =	sld [smem:$0x3FB1]  }
0x2b: {  	s6 =	sld [smem:$0x3FB2]  }
0x2c: {  	s7 =	sld [smem:$0x3FB3]  }
0x2d: {  	s3 =	simm.s32 $0x108;
	s8 =	sld [smem:$0x3FB4]  }
0x2e: {  	s3 =	simm.s32 @!p0 $0x1082;
	s9 =	sld [smem:$0x3FB5]  }
0x2f: {  	lr =	sadd.s32 s0, s3;
	s0 =	sld [smem:$0x3FAC]  }
0x30: {  	s3 =	sld [smem:$0x3FAF]  }
0x31: {  	[smem:$0x3FB8] =	sst s10  }
0x32: {  	s10 =	sld [smem:$0x3FB6];
	_ =	sdelay $0x3  }
0x33: {  	p0 =	seq.s32 s10, $0x1;
	s10 =	sld [smem:$0x3FB8];
	_ =	sdelay $0x3  }
0x34: {  	[smem:$0x3FB8] =	sst s10  }
0x35: {  	s10 =	sld [smem:$0x3FB7];
	_ =	sdelay $0x3  }
0x36: {  	p1 =	seq.s32 s10, $0x1;
	s10 =	sld [smem:$0x3FB8];
	_ =	sdelay $0x3  }
0x37: {  	[smem:$0x3FB8] =	sst s10  }
0x38: {  	s10 =	sld [smem:$0x3FB9]  }
0x39: {  	_ = 	snop;
	(pc) =	sbr.ind lr, $3  }
0x3a: {  	_ = 	snop  }
0x3b: {  	_ = 	snop  }
0x3c: {  	p2 =	seq.s32 s10, $0x1;
	s10 =	sld [smem:$0x3FB8]  }
0x3d: {  	_ =	shalt  }
0x3e: {  	_ =	shalt  }
0x3f: {  	_ =	shalt  }
0x40: {  	_ =	shalt  }
0x41: {  	_ =	shalt  }
0x42: {  	_ =	shalt  }
0x43: {  	_ =	shalt  }
0x44: {  	_ =	shalt  }
0x45: {  	_ =	shalt  }
0x46: {  	_ =	shalt  }
0x47: {  	_ =	shalt  }
0x48: {  	_ =	shalt  }
0x49: {  	_ =	shalt  }
0x4a: {  	_ =	shalt  }
0x4b: {  	_ =	shalt  }
0x4c: {  	_ =	shalt  }
0x4d: {  	_ =	shalt  }
0x4e: {  	_ =	shalt  }
0x4f: {  	_ =	shalt  }
0x50: {  	_ =	shalt  }
0x51: {  	_ =	shalt  }
0x52: {  	_ =	shalt  }
0x53: {  	_ =	shalt  }
0x54: {  	_ =	shalt  }
0x55: {  	_ =	shalt  }
0x56: {  	_ =	shalt  }
0x57: {  	_ =	shalt  }
0x58: {  	_ =	shalt  }
0x59: {  	_ =	shalt  }
0x5a: {  	_ =	shalt  }
0x5b: {  	_ =	shalt  }
0x5c: {  	_ =	shalt  }
0x5d: {  	_ =	shalt  }
0x5e: {  	_ =	shalt  }
0x5f: {  	_ =	shalt  }
0x60: {  	_ =	shalt  }
0x61: {  	_ =	shalt  }
0x62: {  	_ =	shalt  }
0x63: {  	_ =	shalt  }
0x64: {  	_ =	shalt  }
0x65: {  	_ =	shalt  }
0x66: {  	_ =	shalt  }
0x67: {  	_ =	shalt  }
0x68: {  	_ =	shalt  }
0x69: {  	_ =	shalt  }
0x6a: {  	_ =	shalt  }
0x6b: {  	_ =	shalt  }
0x6c: {  	_ =	shalt  }
0x6d: {  	_ =	shalt  }
0x6e: {  	_ =	shalt  }
0x6f: {  	_ =	shalt  }
0x70: {  	_ =	shalt  }
0x71: {  	_ =	shalt  }
0x72: {  	_ =	shalt  }
0x73: {  	_ =	shalt  }
0x74: {  	_ =	shalt  }
0x75: {  	_ =	shalt  }
0x76: {  	_ =	shalt  }
0x77: {  	_ =	shalt  }
0x78: {  	_ =	shalt  }
0x79: {  	_ =	shalt  }
0x7a: {  	_ =	shalt  }
0x7b: {  	_ =	shalt  }
0x7c: {  	_ =	shalt  }
0x7d: {  	_ =	shalt  }
0x7e: {  	_ =	shalt  }
0x7f: {  	_ =	shalt  }
0x80: {  	_ =	shalt  }
0x81: {  	_ =	shalt  }
0x82: {  	_ =	shalt  }
0x83: {  	_ =	shalt  }
0x84: {  	_ =	shalt  }
0x85: {  	_ =	shalt  }
0x86: {  	_ =	shalt  }
0x87: {  	_ =	shalt  }
.Lfunc_end0:
.L_simem_size_0:
called_computation_lowered:
.L_overlay_start_0:
0x88: {  	s2 =	sld [smem:$0x3FD9]  }
0x89: {  	s3 =	sld [smem:$0x3FFE];
	_ =	sdelay $0x1  }
0x8a: {  	s1 =	srdreg.scid  }
0x8b: {  	s0 =	sand.u32 $0x1, s1  }
0x8c: {  	s17 =	sshll.u32 s0, $0xA;
	s2 =	sadd.s32 s3, s2  }
0x8d: {  	s2 =	sadd.s32 s2, s17  }
0x8e: {  	[smem:$0x3FC4] =	sst s2  }
0x8f: {  	_ = 	snop  }
0x90: {  	s2 =	sld [smem:$0x3FD0];
	(tm) =	ssettm $0x1  }
0x91: {  	s18 =	sld [smem:$0x3FFB];
	_ =	sdelay $0x3  }
0x92: {  	_ =	strace s18  }
0x93: {  	s3 =	sld [smem:$0x3FFC];
	_ =	sdelay $0x3  }
0x94: {  	_ =	strace s3  }
0x95: {  	s3 =	sld [smem:$0x3FFD];
	_ =	sdelay $0x3  }
0x96: {  	_ =	strace s3  }
0x97: {  	_ =	strace $0x8FFFFFFF  }
0x98: {  	s19 =	sld [smem:$0x3FDB];
	_ =	sdelay $0x1  }
0x99: {  	s4 =	simm.s32 $_scs_section_size  }
0x9a: {  	s5 =	simm.s32 $_size__tile_overlayer_lowered;
	s6 =	simm.s32 $_tile_overlayer_lowered  }
0x9b: {  	s22 =	simm.s32 $0x1BFF;
	s21 =	sshll.u32 s6, $0x1;
	s3 =	sadd.s32 s4, s19  }
0x9c: {  	s7 =	simm.s32 $0x0;
	s20 =	sshll.u32 s5, $0x1;
	s5 =	sadd.s32 s21, s3  }
0x9d: {  	[timem:s7], [sflag:s22] =	dma.local [hbm:s5], s20  }
0x9e: {  	_ =	swait.ge [sflag:s22], s20  }
0x9f: {  	s4 =	ssub.s32 $0x0, s20;
	[sflag:s22] =	ssyncset.done $0x0  }
0xa0: {  	[sflag:s22] =	ssyncadd.s32 s4;
	_ =	sdelay $0x1  }
0xa1: {  	s23 =	simm.s32 $0x1B8B  }
0xa2: {  	_ =	swait.ge [sflag:s23], $0x1  }
0xa3: {  	[sflag:s23] =	ssyncset.done $0x0  }
0xa4: {  	s25 =	simm.s32 $0x1B8E;
	s24 =	sld [smem:$0x3FFE];
	[sflag:s23] =	ssyncadd.s32 $0xFFFFFFFF  }
0xa5: {  	s26 =	simm.s32 $execute0_lowered;
	[smem:$0x3FD2] =	sst s25  }
0xa6: {  	s5 =	sshll.u32 s26, $0x1;
	_ =	strace $0x80000046;
	[dreg:$0x1] =	wrdreg $0xFFFFFFFF  }
0xa7: {  	s28 =	simm.s32 $_size_execute0_lowered;
	s3 =	sadd.s32 s3, s5;
	[dreg:$0x0] =	wrdreg $0x0  }
0xa8: {  	s5 =	sshll.u32 s28, $0x1;
	[dreg:$0x2] =	wrdreg s3  }
0xa9: {  	[dreg:$0x3] =	wrdreg s5  }
0xaa: {  	[dreg:$0x4] =	wrdreg $0xC0  }
0xab: {  	_ =	task [dreg:s7], $0x5FFFF  }
0xac: {  	[dreg:$0x1] =	wrdreg $0xFFFFFFFF  }
0xad: {  	[dreg:$0x0] =	wrdreg $0x60  }
0xae: {  	[dreg:$0x2] =	wrdreg s24  }
0xaf: {  	[dreg:$0x3] =	wrdreg s2  }
0xb0: {  	[dreg:$0x4] =	wrdreg $0x13F800  }
0xb1: {  	[dreg:$0x5] =	wrdreg $0x9  }
0xb2: {  	_ =	task.clear_ibuf [dreg:s7], $0x6FFFF;
	_ =	strace $0x90000046  }
0xb3: {  	s29 =	simm.s32 $0x9;
	_ =	strace $0x80000051  }
0xb4: {  	_ =	swait.ge [sflag:s29], $0x1  }
0xb5: {  	[sflag:s29] =	ssyncadd.s32 $0xFFFFFFFF  }
0xb6: {  	_ =	strace $0x90000051  }
0xb7: {  	_ =	sfence  }
0xb8: {  	s30 =	sld [smem:$0x0];
	_ =	sdelay $0x2  }
0xb9: {  	s31 =	sshll.u32 s1, $0xD;
	s1 =	sshrl.u32 s1, $0x2  }
0xba: {  	s3 =	sand.u32 $0x4000, s31;
	s1 =	sadd.s32 s1, s30  }
0xbb: {  	s0 =	sor.u32 s3, s0;
	s1 =	sshll.u32 s1, $0x11  }
0xbc: {  	s0 =	sor.u32 s1, s0  }
0xbd: {  	s0 =	sadd.s32 $0x8F2B, s0  }
0xbe: {  	[sflag:s0] =	ssyncadd.remote.s32 $0x1  }
0xbf: {  	_ =	sfence.sel $0xFFFF  }
0xc0: {  	[dreg:$0x0] =	wrdreg $0xFFFFFFFF;
	(pc) =	sbr.abs _section_cstart, $3  }
0xc1: {  	[dreg:$0x1] =	wrdreg $0xFFFFFFFF  }
0xc2: {  	_ =	task.clear_ibuf [dreg:s7], $0x2FFFF;
	_ =	strace $0x9FFFFFFF  }
0xc3: {  	(tm) =	ssettm $0x7FFFFFFF  }
tec
execute0_lowered:
.L_overlay_start_1:
0x0: {  	(tag) =	ssettag $0x1  }
0x1: {  	s7 =	rddreg [dreg:$0x0]  }
0x2: {  	s1 =	rddreg [dreg:$0x1]  }
0x3: {  	s2 =	rddreg [dreg:$0x2]  }
0x4: {  	s0 =	rddreg [dreg:$0x3];
	s3 =	simm.s32 $0x0;
	s4 =	srdreg.scid  }
0x5: {  	s13 =	stileid.u32;
	s17 =	simm.s32 $0x7700;
	s18 =	simm.s32 $0x9F00  }
0x6: {  	s19 =	simm.s32 $0xC700;
	s20 =	simm.s32 $0x50;
	s21 =	simm.s32 $0x11700  }
0x7: {  	s22 =	simm.s32 $0x4F00;
	s23 =	simm.s32 $0x1;
	s25 =	simm.s32 $0x0  }
0x8: {  	[smem:$0x7FF] =	sst s3;
	s8 =	sadd.s32 $0x1600, s7;
	s10 =	sand.u32 $0x1, s4  }
0x9: {  	s5 =	smul.u32 $0x4E20, s13;
	s4 =	sadd.s32 $0x15000, s7;
	s11 =	sadd.s32 $0x17800, s7  }
0xa: {  	s7 =	sadd.s32 $0x15500, s7;
	p0 =	sne.s32 s13, $0x0;
	_ =	strace $0x80000047  }
0xb: {  	s6 =	sshll.u32 s10, $0x4;
	s9 =	ssub.s32 $0x2, s10;
	s24 =	sor.u32 s13, s10  }
0xc: {  	s12 =	sor.u32 s13, s6;
	s5 =	sshrl.u32 s5, $0x3;
	s28 =	sshrl.u32 s9, $0x1  }
0xd: {  	s13 =	simm.s32 $0x2780;
	p1 =	sne.s32 s24, $0x0;
	s15 =	smul.u32 $0x2710, s12  }
0xe: {  	s24 =	simm.s32 $0xEF00;
	s14 =	sadd.s32 s8, s5;
	s29 =	smul.u32 $0x2800, s12  }
0xf: {  	s16 =	ssub.s32 s9, s28;
	s12 =	smul.u32 $0x500, s12;
	s5 =	sadd.s32 $0x9C40, s14  }
0x10: {  	s6 =	sadd.s32 $0xA122, s14;
	s30 =	sshrl.u32 s15, $0x3;
	s31 =	sshrl.u32 s29, $0x3  }
0x11: {  	v0 =	vlaneseq.u32;
	s10 =	sadd.s32 s11, s12;
	s12 =	smax.u32 s16, $0x1;
	s15 =	simm.s32 $0x3  }
0x12: {  	v5 =	vimm.f32 $0.0e+00;
	v6 =	vimm.f32 $1.000000000e+00;
	v1 =	vor.u32 $0x10, v0;
	s16 =	simm.s32 $0x2;
	s8 =	sadd.s32 s8, s30;
	s14 =	sadd.s32 s11, s31  }
0x13: {  	v2 =	vor.u32 $0x20, v0;
	v3 =	vor.u32 $0x30, v0;
	v4 =	vor.u32 $0x40, v0;
	s9 =	sadd.s32 $0x9C40, s8;
	s11 =	sadd.s32 $0xA000, s14;
	s14 =	simm.s32 $0x11780  }
.LBB2_1:
0x14: {  	[tilespmem:s3], [sflag:$0x2] =	stream.linear.gather [hbm4b:s5+s3], $0x2710, $0x38;
	[tilespmem:$0x14200] =	vst v63  }
0x15: {  	_ = 	snop  }
0x16: {  	[tilespmem:s13], [sflag:$0x2] =	stream.linear.gather [hbm4b:s6+s3], $0x2710, $0x38;
	[tilespmem:$0x14200] =	vst v63  }
.Ltmp0:
0x17: {  	[tilespmem:$0x11700] =	vst v0;
	(pc) =	sbr.rel @p0 .LBB2_5-.Ltmp0, $4  }
0x18: {  	[tilespmem:$0x11710] =	vst v1  }
0x19: {  	[tilespmem:$0x11720] =	vst v2  }
0x1a: {  	[tilespmem:$0x11730] =	vst v3  }
0x1b: {  	[tilespmem:$0x11740] =	vst v4  }
0x1c: {  	s26 =	sshra.s32 s3, $0x2;
	s28 =	sadd.s32 $0x200, s3  }
.LBB2_3:
0x1d: {  	p2 =	sne.s32 s28, $0x9E00;
	[tilespmem:s26+$0x117F0] =	vst v5  }
0x1e: {  	[tilespmem:s26+$0x11780] =	vst v5  }
0x1f: {  	[tilespmem:s26+$0x11790] =	vst v5  }
.Ltmp1:
0x20: {  	[tilespmem:s26+$0x117A0] =	vst v5;
	(pc) =	sbr.rel @p2 .LBB2_3-.Ltmp1, $4  }
0x21: {  	[tilespmem:s26+$0x117B0] =	vst v5  }
0x22: {  	[tilespmem:s26+$0x117C0] =	vst v5  }
0x23: {  	[tilespmem:s26+$0x117D0] =	vst v5  }
0x24: {  	[tilespmem:s26+$0x117E0] =	vst v5;
	s26 =	sshra.s32 s28, $0x2;
	s28 =	sadd.s32 $0x200, s28  }
0x25: {  	[tilespmem:s26+$0x117F0] =	vst v5  }
0x26: {  	[tilespmem:s26+$0x11780] =	vst v5  }
0x27: {  	[tilespmem:s26+$0x11790] =	vst v5  }
0x28: {  	[tilespmem:s26+$0x117A0] =	vst v5  }
0x29: {  	[tilespmem:s26+$0x117B0] =	vst v5  }
0x2a: {  	[tilespmem:s26+$0x117C0] =	vst v5  }
0x2b: {  	[tilespmem:s26+$0x117D0] =	vst v5  }
0x2c: {  	[tilespmem:s26+$0x117E0] =	vst v5  }
0x2d: {  	[spmem:s2] =	stream.linear.scatter [tilespmem:s14], [sflag:$0x3], $0x2800, $0x38;
	[tilespmem:$0x14200] =	vst v63  }
0x2e: {  	_ =	swait.ge [sflag:s15], $0x2800  }
0x2f: {  	[sflag:s15] =	ssyncset.done $0x0  }
0x30: {  	[sflag:s15] =	ssyncadd.s32 $0xFFFFD800  }
.LBB2_5:
0x31: {  	s26 =	simm.s32 $0x0;
	s28 =	simm.s32 $0x200  }
.LBB2_6:
0x32: {  	p2 =	sne.s32 s28, $0x9E00;
	[tilespmem:s26+$0xC770] =	vst v5  }
0x33: {  	[tilespmem:s26+$0xC700] =	vst v5  }
0x34: {  	[tilespmem:s26+$0xC710] =	vst v5  }
.Ltmp2:
0x35: {  	[tilespmem:s26+$0xC720] =	vst v5;
	(pc) =	sbr.rel @p2 .LBB2_6-.Ltmp2, $4  }
0x36: {  	[tilespmem:s26+$0xC730] =	vst v5  }
0x37: {  	[tilespmem:s26+$0xC740] =	vst v5  }
0x38: {  	[tilespmem:s26+$0xC750] =	vst v5  }
0x39: {  	[tilespmem:s26+$0xC760] =	vst v5;
	s26 =	sshra.s32 s28, $0x2;
	s28 =	sadd.s32 $0x200, s28  }
0x3a: {  	[tilespmem:s26+$0xC770] =	vst v5  }
0x3b: {  	[tilespmem:s26+$0xC700] =	vst v5  }
0x3c: {  	[tilespmem:s26+$0xC710] =	vst v5  }
0x3d: {  	[tilespmem:s26+$0xC720] =	vst v5  }
0x3e: {  	[tilespmem:s26+$0xC730] =	vst v5  }
0x3f: {  	[tilespmem:s26+$0xC740] =	vst v5  }
0x40: {  	[tilespmem:s26+$0xC750] =	vst v5  }
0x41: {  	[tilespmem:s26+$0xC760] =	vst v5  }
0x42: {  	[bflag:$0x0] =	sbarrier.arrive $0xFFFF  }
0x43: {  	_ =	strace $0x80000048  }
0x44: {  	_ =	swait.ge [sflag:s16], $0x2710  }
0x45: {  	[sflag:s16] =	ssyncset.done $0x0  }
0x46: {  	[sflag:s16] =	ssyncadd.s32 $0xFFFFD8F0  }
0x47: {  	_ =	swait.ge [sflag:s16], $0x2710  }
0x48: {  	[sflag:s16] =	ssyncset.done $0x0  }
0x49: {  	[sflag:s16] =	ssyncadd.s32 $0xFFFFD8F0  }
0x4a: {  	s26 =	simm.s32 $0x0;
	_ =	strace $0x90000048  }
0x4b: {  	[tilespmem:s17], [sflag:$0x1] =	stream.linear.gather [hbm4b:s4+s26], $0x2800, $0x38;
	[tilespmem:$0x14200] =	vst v63  }
0x4c: {  	_ = 	snop  }
0x4d: {  	[tilespmem:s18], [sflag:$0x1] =	stream.linear.gather [hbm4b:s7+s26], $0x2800, $0x38;
	[tilespmem:$0x14200] =	vst v63  }
0x4e: {  	_ =	strace $0x80000049  }
.LBB2_8:
0x4f: {  	s28 =	sshra.s32 s26, $0x2  }
0x50: {  	v7 =	vld [tilespmem:s28+$0x0];
	_ =	sdelay $0x7  }
0x51: {  	[tilespmem:v7+s19+$0x0] =	vst.idx.add.f32.msk $0xffff, v6  }
0x52: {  	v7 =	vld [tilespmem:s28+$0x2780];
	_ =	sdelay $0x7  }
0x53: {  	[tilespmem:v7+s19+$0x0] =	vst.idx.add.f32.msk $0xffff, v6  }
0x54: {  	v7 =	vld [tilespmem:s28+$0x10];
	_ =	sdelay $0x7  }
0x55: {  	[tilespmem:v7+s19+$0x0] =	vst.idx.add.f32.msk $0xffff, v6  }
0x56: {  	v7 =	vld [tilespmem:s28+$0x2790];
	_ =	sdelay $0x7  }
0x57: {  	[tilespmem:v7+s19+$0x0] =	vst.idx.add.f32.msk $0xffff, v6  }
0x58: {  	v7 =	vld [tilespmem:s28+$0x20];
	_ =	sdelay $0x7  }
0x59: {  	[tilespmem:v7+s19+$0x0] =	vst.idx.add.f32.msk $0xffff, v6  }
0x5a: {  	v7 =	vld [tilespmem:s28+$0x27A0];
	_ =	sdelay $0x7  }
0x5b: {  	[tilespmem:v7+s19+$0x0] =	vst.idx.add.f32.msk $0xffff, v6  }
0x5c: {  	v7 =	vld [tilespmem:s28+$0x30];
	_ =	sdelay $0x7  }
0x5d: {  	[tilespmem:v7+s19+$0x0] =	vst.idx.add.f32.msk $0xffff, v6  }
0x5e: {  	v7 =	vld [tilespmem:s28+$0x27B0];
	_ =	sdelay $0x7  }
0x5f: {  	[tilespmem:v7+s19+$0x0] =	vst.idx.add.f32.msk $0xffff, v6  }
0x60: {  	v7 =	vld [tilespmem:s28+$0x40];
	_ =	sdelay $0x7  }
0x61: {  	[tilespmem:v7+s19+$0x0] =	vst.idx.add.f32.msk $0xffff, v6  }
0x62: {  	v7 =	vld [tilespmem:s28+$0x27C0];
	_ =	sdelay $0x2  }
0x63: {  	p2 =	sne.s32 s26, $0x9B00  }
.Ltmp3:
0x64: {  	_ = 	snop;
	(pc) =	sbr.rel @p2 .LBB2_8-.Ltmp3, $2  }
0x65: {  	_ =	sdelay $0x2  }
0x66: {  	s26 =	sadd.s32 $0x140, s26;
	[tilespmem:v7+s19+$0x0] =	vst.idx.add.f32.msk $0xffff, v6  }
0x67: {  	_ =	strace $0x90000049;
	s26 =	simm.s32 $0x0  }
0x68: {  	[tilespmem:s26], [sflag:$0x2] =	stream.linear.gather [hbm4b:s8+s26], $0x2710, $0x38;
	[tilespmem:$0x14200] =	vst v63  }
0x69: {  	_ = 	snop  }
0x6a: {  	[tilespmem:s13], [sflag:$0x2] =	stream.linear.gather [hbm4b:s9+s26], $0x2710, $0x38;
	[tilespmem:$0x14200] =	vst v63  }
0x6b: {  	_ =	strace $0x8000004A  }
0x6c: {  	[spmem:s2] =	stream.indirect.scatter.add.f32 [tilespmem:s19], [sflag:$0x3], $0x80, s21, s20, $0x2000b8;
	[tilespmem:$0x14200] =	vst v63  }
0x6d: {  	_ =	swait.ge [sflag:s15], $0x2800  }
0x6e: {  	[sflag:s15] =	ssyncset.done $0x0  }
0x6f: {  	[sflag:s15] =	ssyncadd.s32 $0xFFFFD800  }
0x70: {  	[bflag:$0x0] =	sbarrier.arrive $0xFFFF  }
0x71: {  	_ =	strace $0x9000004A  }
0x72: {  	_ =	strace $0x8000004B  }
0x73: {  	[tilespmem:s22], [sflag:$0x3] =	stream.linear.gather [spmem:s2], $0x2800, $0x200038;
	[tilespmem:$0x14200] =	vst v63  }
0x74: {  	_ =	swait.ge [sflag:s15], $0x2800  }
0x75: {  	[sflag:s15] =	ssyncset.done $0x0  }
0x76: {  	[sflag:s15] =	ssyncadd.s32 $0xFFFFD800  }
0x77: {  	_ =	swait.ge [sflag:s23], $0x2800  }
0x78: {  	[sflag:s23] =	ssyncset.done $0x0  }
0x79: {  	[sflag:s23] =	ssyncadd.s32 $0xFFFFD800  }
0x7a: {  	_ =	swait.ge [sflag:s23], $0x2800  }
0x7b: {  	[sflag:s23] =	ssyncset.done $0x0  }
0x7c: {  	[sflag:s23] =	ssyncadd.s32 $0xFFFFD800  }
0x7d: {  	_ =	strace $0x9000004B  }
0x7e: {  	s26 =	simm.s32 $0x0;
	_ =	strace $0x8000004C  }
0x7f: {  	v7 =	vld [tilespmem:s26+$0x4F70]  }
0x80: {  	v8 =	vld [tilespmem:s26+$0x4F00]  }
0x81: {  	v9 =	vld [tilespmem:s26+$0x4F10]  }
0x82: {  	v10 =	vld [tilespmem:s26+$0x4F30]  }
0x83: {  	v11 =	vld [tilespmem:s26+$0x4F50];
	_ =	sdelay $0x2  }
0x84: {  	v7 =	vadd.f32 $1.000000000e+00, v7;
	v8 =	vadd.f32 $1.000000000e+00, v8  }
0x85: {  	v9 =	vadd.f32 $1.000000000e+00, v9;
	v10 =	vadd.f32 $1.000000000e+00, v10  }
0x86: {  	v13 =	vld [tilespmem:s26+$0x4F20];
	v11 =	vadd.f32 $1.000000000e+00, v11;
	v12 =	vshra.s32 v7, $0x1;
	v14 =	vmul.f32 $-5.000000000e-01, v7  }
0x87: {  	v26 =	vmul.f32 $-5.000000000e-01, v8;
	v8 =	vshra.s32 v8, $0x1;
	v15 =	vmul.f32 $-5.000000000e-01, v9  }
0x88: {  	v20 =	vshra.s32 v10, $0x1;
	v22 =	vmul.f32 $-5.000000000e-01, v10;
	v7 =	vsub.s32 $0x5F3759DF, v12  }
0x89: {  	v12 =	vsub.s32 $0x5F3759DF, v8;
	v8 =	vshra.s32 v9, $0x1;
	v9 =	vmul.f32 $-5.000000000e-01, v11  }
0x8a: {  	v20 =	vsub.s32 $0x5F3759DF, v20;
	v11 =	vshra.s32 v11, $0x1;
	v16 =	vmul.f32 v12, v26  }
0x8b: {  	v23 =	vld [tilespmem:s26+$0x4F60];
	v17 =	vsub.s32 $0x5F3759DF, v8;
	v8 =	vadd.f32 $1.000000000e+00, v13;
	v18 =	vmul.f32 v7, v14  }
0x8c: {  	v13 =	vld [tilespmem:s26+$0x4F40];
	v24 =	vmul.f32 v20, v22;
	v25 =	vsub.s32 $0x5F3759DF, v11;
	v19 =	vmul.f32 v17, v15  }
0x8d: {  	v21 =	vshra.s32 v8, $0x1;
	v18 =	vmul.f32 v7, v18;
	v16 =	vmul.f32 v12, v16  }
0x8e: {  	v27 =	vmul.f32 v25, v9;
	v8 =	vmul.f32 $-5.000000000e-01, v8;
	v21 =	vsub.s32 $0x5F3759DF, v21  }
0x8f: {  	v19 =	vmul.f32 v17, v19;
	v18 =	vadd.f32 $1.500000000e+00, v18;
	v16 =	vadd.f32 $1.500000000e+00, v16  }
0x90: {  	v23 =	vadd.f32 $1.000000000e+00, v23;
	v27 =	vmul.f32 v25, v27;
	v10 =	vmul.f32 v21, v8  }
0x91: {  	v13 =	vadd.f32 $1.000000000e+00, v13;
	v18 =	vmul.f32 v7, v18;
	v16 =	vmul.f32 v12, v16  }
0x92: {  	v12 =	vadd.f32 $1.500000000e+00, v19;
	v19 =	vmul.f32 v20, v24;
	v10 =	vmul.f32 v21, v10  }
0x93: {  	v7 =	vmul.f32 $-5.000000000e-01, v13;
	v13 =	vshra.s32 v13, $0x1;
	v24 =	vmul.f32 v18, v14  }
0x94: {  	v13 =	vsub.s32 $0x5F3759DF, v13;
	v11 =	vadd.f32 $1.500000000e+00, v19;
	v12 =	vmul.f32 v17, v12  }
0x95: {  	v17 =	vadd.f32 $1.500000000e+00, v10;
	v10 =	vmul.f32 $-5.000000000e-01, v23;
	v19 =	vmul.f32 v13, v7  }
0x96: {  	v20 =	vmul.f32 v20, v11;
	v28 =	vmul.f32 v12, v15  }
0x97: {  	v27 =	vadd.f32 $1.500000000e+00, v27;
	v11 =	vmul.f32 v21, v17;
	v17 =	vmul.f32 v16, v26  }
0x98: {  	v23 =	vshra.s32 v23, $0x1;
	v21 =	vmul.f32 v24, v18;
	v24 =	vmul.f32 v28, v12  }
0x99: {  	v27 =	vmul.f32 v25, v27;
	v23 =	vsub.s32 $0x5F3759DF, v23;
	v28 =	vmul.f32 v17, v16  }
0x9a: {  	v17 =	vmul.f32 v13, v19;
	v19 =	vadd.f32 $1.500000000e+00, v21;
	v24 =	vadd.f32 $1.500000000e+00, v24  }
0x9b: {  	v30 =	vmul.f32 v23, v10;
	v29 =	vmul.f32 v20, v22  }
0x9c: {  	v19 =	vmul.f32 v19, v18;
	v18 =	vmul.f32 v24, v12  }
0x9d: {  	v21 =	vmul.f32 v11, v8;
	v12 =	vmul.f32 v29, v20  }
0x9e: {  	v17 =	vadd.f32 $1.500000000e+00, v17;
	v24 =	vmul.f32 v23, v30;
	v15 =	vmul.f32 v18, v15  }
0x9f: {  	v31 =	vmul.f32 v21, v11;
	v29 =	vmul.f32 v27, v9;
	v25 =	vadd.f32 $1.500000000e+00, v12  }
0xa0: {  	v62 =	vmul.f32 v19, v14;
	v14 =	vadd.f32 $1.500000000e+00, v24;
	v15 =	vmul.f32 v15, v18  }
0xa1: {  	v12 =	vmul.f32 v13, v17;
	v17 =	vmul.f32 v25, v20  }
0xa2: {  	v13 =	vmul.f32 v29, v27;
	v14 =	vmul.f32 v23, v14;
	v15 =	vadd.f32 $1.500000000e+00, v15  }
0xa3: {  	v24 =	vld [tilespmem:s26+$0x7710];
	v25 =	vadd.f32 $1.500000000e+00, v28;
	v20 =	vmul.f32 v17, v22;
	v22 =	vmul.f32 v62, v19  }
0xa4: {  	v28 =	vld [tilespmem:s26+$0x9F10];
	v13 =	vadd.f32 $1.500000000e+00, v13;
	v29 =	vmul.f32 v14, v10;
	v63 =	vmul.f32 v15, v18  }
0xa5: {  	v23 =	vld [tilespmem:s26+$0x7770];
	v15 =	vmul.f32 v20, v17;
	v21 =	vadd.f32 $1.500000000e+00, v22;
	v18 =	vmul.f32 v25, v16  }
0xa6: {  	v29 =	vmul.f32 v29, v14;
	v20 =	vmul.f32 v12, v7  }
0xa7: {  	v16 =	vmul.f32 v13, v27;
	v19 =	vmul.f32 v21, v19  }
0xa8: {  	[tilespmem:s26+$0x4F10] =	vst v63;
	v25 =	vadd.f32 $1.500000000e+00, v15;
	v21 =	vld [tilespmem:s26+$0x9F70];
	v15 =	vmul.f32 v63, v24;
	v24 =	vadd.f32 $1.500000000e+00, v31  }
0xa9: {  	s28 =	simm.s32 $0x200;
	v22 =	vld [tilespmem:s26+$0x7730];
	v26 =	vmul.f32 v18, v26;
	v27 =	vmul.f32 v63, v28;
	v13 =	vadd.f32 $1.500000000e+00, v29;
	[tilespmem:s26+$0x4F70] =	vst v19  }
.LBB2_10:
0xaa: {  	s29 =	sshra.s32 s28, $0x2;
	p2 =	sne.s32 s28, $0x9E00;
	s28 =	sadd.s32 $0x200, s28;
	v20 =	vmul.f32 v20, v12;
	v28 =	vld [tilespmem:s26+$0x9F50];
	v23 =	vmul.f32 v19, v23  }
0xab: {  	v11 =	vmul.f32 v24, v11;
	v26 =	vmul.f32 v26, v18;
	[tilespmem:s26+$0x9F10] =	vst v27;
	v24 =	vld [tilespmem:s26+$0x9F30]  }
0xac: {  	v17 =	vmul.f32 v25, v17;
	v9 =	vmul.f32 v16, v9;
	v27 =	vld [tilespmem:s26+$0x7700];
	v20 =	vadd.f32 $1.500000000e+00, v20;
	[tilespmem:s26+$0x7770] =	vst v23  }
0xad: {  	v8 =	vmul.f32 v11, v8;
	v23 =	vld [tilespmem:s29+$0x4F70];
	v25 =	vadd.f32 $1.500000000e+00, v26;
	v19 =	vmul.f32 v19, v21  }
0xae: {  	v9 =	vmul.f32 v9, v16;
	[tilespmem:s26+$0x4F30] =	vst v17;
	v21 =	vmul.f32 v17, v22;
	v22 =	vld [tilespmem:s26+$0x7750]  }
0xaf: {  	v8 =	vmul.f32 v8, v11;
	v18 =	vmul.f32 v25, v18;
	v25 =	vld [tilespmem:s26+$0x7720];
	[tilespmem:s26+$0x9F70] =	vst v19  }
0xb0: {  	v13 =	vmul.f32 v13, v14;
	v9 =	vadd.f32 $1.500000000e+00, v9;
	v19 =	vld [tilespmem:s26+$0x9F20];
	[tilespmem:s26+$0x7730] =	vst v21;
	v17 =	vmul.f32 v17, v24  }
0xb1: {  	v20 =	vmul.f32 v20, v12;
	v8 =	vadd.f32 $1.500000000e+00, v8;
	[tilespmem:s26+$0x4F00] =	vst v18;
	v14 =	vmul.f32 v18, v27;
	v21 =	vld [tilespmem:s26+$0x9F00]  }
0xb2: {  	v10 =	vmul.f32 v13, v10;
	v9 =	vmul.f32 v9, v16;
	v24 =	vld [tilespmem:s29+$0x4F10];
	[tilespmem:s26+$0x9F30] =	vst v17  }
0xb3: {  	v7 =	vmul.f32 v20, v7;
	v12 =	vadd.f32 $1.000000000e+00, v23;
	v8 =	vmul.f32 v8, v11;
	v16 =	vld [tilespmem:s29+$0x4F00];
	[tilespmem:s26+$0x7700] =	vst v14  }
0xb4: {  	v10 =	vmul.f32 v10, v13;
	v14 =	vmul.f32 v9, v22;
	v11 =	vld [tilespmem:s29+$0x4F30];
	[tilespmem:s26+$0x4F50] =	vst v9  }
0xb5: {  	v7 =	vmul.f32 v7, v20;
	v22 =	vshra.s32 v12, $0x1;
	v9 =	vmul.f32 v9, v28;
	v17 =	vld [tilespmem:s29+$0x4F50];
	[tilespmem:s26+$0x7710] =	vst v15  }
0xb6: {  	v10 =	vadd.f32 $1.500000000e+00, v10;
	v12 =	vmul.f32 $-5.000000000e-01, v12;
	v15 =	vmul.f32 v8, v19;
	[tilespmem:s26+$0x7750] =	vst v14;
	v14 =	vld [tilespmem:s26+$0x7760]  }
0xb7: {  	v7 =	vadd.f32 $1.500000000e+00, v7;
	v19 =	vmul.f32 v8, v25;
	v18 =	vmul.f32 v18, v21;
	[tilespmem:s26+$0x9F50] =	vst v9;
	v9 =	vld [tilespmem:s26+$0x9F60]  }
0xb8: {  	v10 =	vmul.f32 v10, v13;
	v21 =	vsub.s32 $0x5F3759DF, v22;
	v16 =	vadd.f32 $1.000000000e+00, v16;
	[tilespmem:s26+$0x4F20] =	vst v8;
	v8 =	vld [tilespmem:s26+$0x7740]  }
0xb9: {  	v7 =	vmul.f32 v7, v20;
	v22 =	vadd.f32 $1.000000000e+00, v24;
	v23 =	vld [tilespmem:s29+$0x4F20];
	[tilespmem:s26+$0x7720] =	vst v19  }
0xba: {  	v11 =	vadd.f32 $1.000000000e+00, v11;
	v13 =	vmul.f32 $-5.000000000e-01, v16;
	v17 =	vadd.f32 $1.000000000e+00, v17;
	[tilespmem:s26+$0x9F20] =	vst v15;
	v15 =	vld [tilespmem:s26+$0x9F40]  }
0xbb: {  	v19 =	vshra.s32 v22, $0x1;
	v16 =	vshra.s32 v16, $0x1;
	[tilespmem:s26+$0x4F40] =	vst v7;
	v14 =	vmul.f32 v10, v14  }
0xbc: {  	v20 =	vmul.f32 $-5.000000000e-01, v22;
	v16 =	vsub.s32 $0x5F3759DF, v16;
	[tilespmem:s26+$0x4F60] =	vst v10;
	v10 =	vmul.f32 v10, v9  }
0xbd: {  	v19 =	vsub.s32 $0x5F3759DF, v19;
	v22 =	vmul.f32 v16, v13;
	v8 =	vmul.f32 v7, v8;
	[tilespmem:s26+$0x7760] =	vst v14  }
0xbe: {  	v24 =	vmul.f32 v21, v12;
	v9 =	vmul.f32 $-5.000000000e-01, v17;
	v14 =	vadd.f32 $1.000000000e+00, v23;
	v23 =	vld [tilespmem:s29+$0x4F40];
	[tilespmem:s26+$0x9F60] =	vst v10  }
0xbf: {  	v25 =	vshra.s32 v11, $0x1;
	v10 =	vmul.f32 v19, v20;
	[tilespmem:s26+$0x7740] =	vst v8;
	v7 =	vmul.f32 v7, v15  }
0xc0: {  	v15 =	vshra.s32 v14, $0x1;
	v8 =	vmul.f32 $-5.000000000e-01, v14;
	v14 =	vmul.f32 v21, v24;
	[tilespmem:s26+$0x9F00] =	vst v18  }
0xc1: {  	v18 =	vmul.f32 v16, v22;
	v22 =	vmul.f32 $-5.000000000e-01, v11;
	v15 =	vsub.s32 $0x5F3759DF, v15;
	v11 =	vld [tilespmem:s29+$0x4F60];
	[tilespmem:s26+$0x9F40] =	vst v7;
	s26 =	smov.u32 s29  }
0xc2: {  	v25 =	vsub.s32 $0x5F3759DF, v25;
	v24 =	vmul.f32 v15, v8;
	v7 =	vadd.f32 $1.500000000e+00, v14  }
0xc3: {  	v10 =	vmul.f32 v19, v10;
	v14 =	vadd.f32 $1.500000000e+00, v18;
	v18 =	vadd.f32 $1.000000000e+00, v23  }
0xc4: {  	v17 =	vshra.s32 v17, $0x1;
	v23 =	vmul.f32 v25, v22;
	v21 =	vmul.f32 v21, v7  }
0xc5: {  	v10 =	vadd.f32 $1.500000000e+00, v10;
	v16 =	vmul.f32 v16, v14;
	v7 =	vmul.f32 $-5.000000000e-01, v18  }
0xc6: {  	v14 =	vmul.f32 v25, v23;
	v18 =	vshra.s32 v18, $0x1;
	v23 =	vmul.f32 v21, v12  }
0xc7: {  	v17 =	vsub.s32 $0x5F3759DF, v17;
	v24 =	vmul.f32 v15, v24;
	v18 =	vsub.s32 $0x5F3759DF, v18  }
0xc8: {  	v11 =	vadd.f32 $1.000000000e+00, v11;
	v14 =	vadd.f32 $1.500000000e+00, v14;
	v26 =	vmul.f32 v18, v7  }
0xc9: {  	v27 =	vmul.f32 v17, v9;
	v19 =	vmul.f32 v19, v10;
	v24 =	vadd.f32 $1.500000000e+00, v24  }
0xca: {  	v10 =	vmul.f32 $-5.000000000e-01, v11;
	v14 =	vmul.f32 v25, v14;
	v25 =	vshra.s32 v11, $0x1  }
0xcb: {  	v28 =	vmul.f32 v19, v20;
	v11 =	vmul.f32 v15, v24  }
0xcc: {  	v23 =	vmul.f32 v23, v21;
	v15 =	vmul.f32 v16, v13;
	v24 =	vsub.s32 $0x5F3759DF, v25  }
0xcd: {  	v27 =	vmul.f32 v17, v27;
	v25 =	vmul.f32 v28, v19  }
0xce: {  	v26 =	vmul.f32 v18, v26;
	v23 =	vadd.f32 $1.500000000e+00, v23;
	v15 =	vmul.f32 v15, v16  }
0xcf: {  	v27 =	vadd.f32 $1.500000000e+00, v27;
	v28 =	vmul.f32 v11, v8;
	v29 =	vmul.f32 v14, v22  }
0xd0: {  	v30 =	vmul.f32 v24, v10;
	v25 =	vadd.f32 $1.500000000e+00, v25;
	v21 =	vmul.f32 v23, v21  }
0xd1: {  	v27 =	vmul.f32 v17, v27;
	v26 =	vadd.f32 $1.500000000e+00, v26;
	v23 =	vmul.f32 v29, v14  }
0xd2: {  	v17 =	vmul.f32 v24, v30;
	v19 =	vmul.f32 v25, v19  }
0xd3: {  	v25 =	vmul.f32 v27, v9;
	v29 =	vmul.f32 v21, v12;
	v23 =	vadd.f32 $1.500000000e+00, v23  }
0xd4: {  	v12 =	vmul.f32 v18, v26;
	v18 =	vadd.f32 $1.500000000e+00, v17;
	v20 =	vmul.f32 v19, v20  }
0xd5: {  	v25 =	vmul.f32 v25, v27;
	v17 =	vmul.f32 v23, v14  }
0xd6: {  	v14 =	vmul.f32 v24, v18;
	v20 =	vmul.f32 v20, v19  }
0xd7: {  	v15 =	vadd.f32 $1.500000000e+00, v15;
	v23 =	vmul.f32 v29, v21;
	v22 =	vmul.f32 v17, v22;
	v24 =	vld [tilespmem:s26+$0x7710]  }
0xd8: {  	v26 =	vmul.f32 v28, v11;
	v28 =	vmul.f32 v14, v10;
	v20 =	vadd.f32 $1.500000000e+00, v20;
	v29 =	vld [tilespmem:s26+$0x9F10]  }
.Ltmp4:
0xd9: {  	v18 =	vmul.f32 v15, v16;
	v16 =	vadd.f32 $1.500000000e+00, v23;
	v15 =	vmul.f32 v22, v17;
	v23 =	vld [tilespmem:s26+$0x7770];
	(pc) =	sbr.rel @p2 .LBB2_10-.Ltmp4, $4  }
0xda: {  	v30 =	vadd.f32 $1.500000000e+00, v25;
	v28 =	vmul.f32 v28, v14;
	v22 =	vmul.f32 v20, v19  }
0xdb: {  	v20 =	vmul.f32 v12, v7;
	v19 =	vmul.f32 v16, v21;
	v25 =	vadd.f32 $1.500000000e+00, v15  }
0xdc: {  	v16 =	vmul.f32 v30, v27;
	[tilespmem:s26+$0x4F10] =	vst v22;
	v15 =	vmul.f32 v22, v24;
	v24 =	vadd.f32 $1.500000000e+00, v26;
	v21 =	vld [tilespmem:s26+$0x9F70]  }
0xdd: {  	v26 =	vmul.f32 v18, v13;
	v13 =	vadd.f32 $1.500000000e+00, v28;
	v27 =	vmul.f32 v22, v29;
	v22 =	vld [tilespmem:s26+$0x7730];
	[tilespmem:s26+$0x4F70] =	vst v19  }
0xde: {  	v23 =	vmul.f32 v19, v23  }
0xdf: {  	v17 =	vmul.f32 v25, v17;
	v9 =	vmul.f32 v16, v9  }
0xe0: {  	v44 =	vld [tilespmem:s26+$0x9F30];
	v11 =	vmul.f32 v24, v11;
	[tilespmem:s26+$0x7710] =	vst v15;
	v46 =	vmul.f32 v26, v18  }
0xe1: {  	v45 =	vld [tilespmem:s26+$0x7700];
	v20 =	vmul.f32 v20, v12;
	[tilespmem:s26+$0x9F10] =	vst v27;
	v9 =	vmul.f32 v9, v16  }
0xe2: {  	v48 =	vld [tilespmem:s26+$0x7750];
	[tilespmem:s26+$0x7770] =	vst v23;
	v8 =	vmul.f32 v11, v8;
	v47 =	vmul.f32 v19, v21;
	v23 =	vadd.f32 $1.500000000e+00, v46  }
0xe3: {  	v53 =	vld [tilespmem:s26+$0x9F00];
	v13 =	vmul.f32 v13, v14;
	[tilespmem:s26+$0x4F30] =	vst v17;
	v54 =	vadd.f32 $1.500000000e+00, v20;
	v22 =	vmul.f32 v17, v22  }
0xe4: {  	v28 =	vld [tilespmem:s26+$0x9F50];
	v9 =	vadd.f32 $1.500000000e+00, v9;
	v8 =	vmul.f32 v8, v11;
	[tilespmem:s26+$0x9F70] =	vst v47;
	v50 =	vmul.f32 v23, v18  }
0xe5: {  	v56 =	vmul.f32 v54, v12;
	v17 =	vmul.f32 v17, v44;
	[tilespmem:s26+$0x7730] =	vst v22  }
0xe6: {  	v49 =	vld [tilespmem:s26+$0x7720];
	v10 =	vmul.f32 v13, v10;
	v9 =	vmul.f32 v9, v16;
	[tilespmem:s26+$0x4F00] =	vst v50  }
0xe7: {  	v51 =	vld [tilespmem:s26+$0x9F20];
	v8 =	vadd.f32 $1.500000000e+00, v8;
	v7 =	vmul.f32 v56, v7;
	v52 =	vmul.f32 v50, v45;
	[tilespmem:s26+$0x9F30] =	vst v17  }
0xe8: {  	v63 =	vmul.f32 v50, v53;
	[tilespmem:s26+$0x4F50] =	vst v9;
	v55 =	vmul.f32 v9, v48  }
0xe9: {  	v9 =	vmul.f32 v9, v28;
	v8 =	vmul.f32 v8, v11;
	[tilespmem:s26+$0x7700] =	vst v52  }
0xea: {  	v58 =	vmul.f32 v10, v13;
	v7 =	vmul.f32 v7, v56;
	[tilespmem:s26+$0x9F00] =	vst v63  }
0xeb: {  	v57 =	vld [tilespmem:s26+$0x7760];
	[tilespmem:s26+$0x9F50] =	vst v9;
	v11 =	vmul.f32 v8, v49  }
0xec: {  	v59 =	vld [tilespmem:s26+$0x9F60];
	[tilespmem:s26+$0x4F20] =	vst v8;
	v8 =	vmul.f32 v8, v51;
	v9 =	vadd.f32 $1.500000000e+00, v58;
	v7 =	vadd.f32 $1.500000000e+00, v7  }
0xed: {  	v60 =	vld [tilespmem:s26+$0x7740];
	[tilespmem:s26+$0x7750] =	vst v55  }
0xee: {  	v9 =	vmul.f32 v9, v13;
	v7 =	vmul.f32 v7, v56;
	[tilespmem:s26+$0x9F20] =	vst v8;
	v8 =	vld [tilespmem:s26+$0x9F40]  }
0xef: {  	[tilespmem:s26+$0x7720] =	vst v11  }
0xf0: {  	[tilespmem:s26+$0x4F40] =	vst v7;
	v61 =	vmul.f32 v9, v57  }
0xf1: {  	[tilespmem:s26+$0x4F60] =	vst v9;
	v9 =	vmul.f32 v9, v59  }
0xf2: {  	v62 =	vmul.f32 v7, v60;
	[tilespmem:s26+$0x7760] =	vst v61  }
0xf3: {  	[tilespmem:s26+$0x9F60] =	vst v9;
	v7 =	vmul.f32 v7, v8  }
0xf4: {  	[tilespmem:s26+$0x7740] =	vst v62  }
0xf5: {  	s28 =	simm.s32 @!p1 $0x4F00;
	[tilespmem:s26+$0x9F40] =	vst v7;
	s26 =	simm.s32 @!p1 $0x0  }
0xf6: {  	[hbm4b:s1+s26] =	stream.linear.scatter @!p1 [tilespmem:s28], [sflag:$0x3], $0x2800, $0x200038;
	[tilespmem:$0x14200] =	vst v63  }
0xf7: {  	s26 =	simm.s32 @!p1 $0x3  }
0xf8: {  	_ =	swait.ge @!p1 [sflag:s26], $0x2800  }
0xf9: {  	[sflag:s26] =	ssyncset.done @!p1 $0x0  }
0xfa: {  	[sflag:s26] =	ssyncadd.s32 @!p1 $0xFFFFD800  }
0xfb: {  	_ =	strace $0x9000004C  }
0xfc: {  	s28 =	simm.s32 $0x200;
	s26 =	simm.s32 $0x0;
	_ =	strace $0x8000004D  }
.LBB2_12:
0xfd: {  	p2 =	sne.s32 s28, $0x9E00;
	[tilespmem:s26+$0xC770] =	vst v5  }
0xfe: {  	[tilespmem:s26+$0xC700] =	vst v5  }
0xff: {  	[tilespmem:s26+$0xC710] =	vst v5  }
.Ltmp5:
0x100: {  	[tilespmem:s26+$0xC720] =	vst v5;
	(pc) =	sbr.rel @p2 .LBB2_12-.Ltmp5, $4  }
0x101: {  	[tilespmem:s26+$0xC730] =	vst v5  }
0x102: {  	[tilespmem:s26+$0xC740] =	vst v5  }
0x103: {  	[tilespmem:s26+$0xC750] =	vst v5  }
0x104: {  	[tilespmem:s26+$0xC760] =	vst v5;
	s26 =	sshra.s32 s28, $0x2;
	s28 =	sadd.s32 $0x200, s28  }
0x105: {  	[tilespmem:s26+$0xC770] =	vst v5  }
0x106: {  	[tilespmem:s26+$0xC700] =	vst v5  }
0x107: {  	[tilespmem:s26+$0xC710] =	vst v5  }
0x108: {  	[tilespmem:s26+$0xC720] =	vst v5  }
0x109: {  	[tilespmem:s26+$0xC730] =	vst v5  }
0x10a: {  	[tilespmem:s26+$0xC740] =	vst v5  }
0x10b: {  	[tilespmem:s26+$0xC750] =	vst v5  }
0x10c: {  	[tilespmem:s26+$0xC760] =	vst v5;
	s26 =	simm.s32 $0x0;
	s28 =	simm.s32 $0x200  }
.LBB2_14:
0x10d: {  	p2 =	sne.s32 s28, $0x9E00;
	[tilespmem:s26+$0xEF70] =	vst v5  }
0x10e: {  	[tilespmem:s26+$0xEF00] =	vst v5  }
0x10f: {  	[tilespmem:s26+$0xEF10] =	vst v5  }
.Ltmp6:
0x110: {  	[tilespmem:s26+$0xEF20] =	vst v5;
	(pc) =	sbr.rel @p2 .LBB2_14-.Ltmp6, $4  }
0x111: {  	[tilespmem:s26+$0xEF30] =	vst v5  }
0x112: {  	[tilespmem:s26+$0xEF40] =	vst v5  }
0x113: {  	[tilespmem:s26+$0xEF50] =	vst v5  }
0x114: {  	[tilespmem:s26+$0xEF60] =	vst v5;
	s26 =	sshra.s32 s28, $0x2;
	s28 =	sadd.s32 $0x200, s28  }
0x115: {  	[tilespmem:s26+$0xEF70] =	vst v5  }
0x116: {  	[tilespmem:s26+$0xEF00] =	vst v5  }
0x117: {  	[tilespmem:s26+$0xEF10] =	vst v5  }
0x118: {  	[tilespmem:s26+$0xEF20] =	vst v5  }
0x119: {  	[tilespmem:s26+$0xEF30] =	vst v5  }
0x11a: {  	[tilespmem:s26+$0xEF40] =	vst v5  }
0x11b: {  	[tilespmem:s26+$0xEF50] =	vst v5  }
0x11c: {  	[tilespmem:s26+$0xEF60] =	vst v5  }
0x11d: {  	_ =	strace $0x9000004D  }
0x11e: {  	_ =	strace $0x8000004E  }
0x11f: {  	_ =	swait.ge [sflag:s16], $0x2710  }
0x120: {  	[sflag:s16] =	ssyncset.done $0x0  }
0x121: {  	[sflag:s16] =	ssyncadd.s32 $0xFFFFD8F0  }
0x122: {  	_ =	swait.ge [sflag:s16], $0x2710  }
0x123: {  	[sflag:s16] =	ssyncset.done $0x0  }
0x124: {  	[sflag:s16] =	ssyncadd.s32 $0xFFFFD8F0  }
0x125: {  	_ =	strace $0x9000004E  }
0x126: {  	s26 =	simm.s32 $0x0;
	_ =	strace $0x8000004F  }
.LBB2_16:
0x127: {  	s28 =	sshra.s32 s26, $0x2  }
0x128: {  	v7 =	vld [tilespmem:s28+$0x0];
	_ =	sdelay $0x4  }
0x129: {  	v8 =	vld [tilespmem:s28+$0x2780];
	_ =	sdelay $0x2  }
0x12a: {  	v9 =	vld.idx.msk [tilespmem:v7+s17+$0x0], $0xffff;
	_ =	sdelay $0x4  }
0x12b: {  	[tilespmem:v8+s19+$0x0] =	vst.idx.add.f32.msk $0xffff, v9  }
0x12c: {  	v7 =	vld.idx.msk [tilespmem:v7+s18+$0x0], $0xffff;
	_ =	sdelay $0x4  }
0x12d: {  	[tilespmem:v8+s24+$0x0] =	vst.idx.add.f32.msk $0xffff, v7  }
0x12e: {  	v7 =	vld [tilespmem:s28+$0x10];
	_ =	sdelay $0x4  }
0x12f: {  	v8 =	vld [tilespmem:s28+$0x2790];
	_ =	sdelay $0x2  }
0x130: {  	v9 =	vld.idx.msk [tilespmem:v7+s17+$0x0], $0xffff;
	_ =	sdelay $0x4  }
0x131: {  	[tilespmem:v8+s19+$0x0] =	vst.idx.add.f32.msk $0xffff, v9  }
0x132: {  	v7 =	vld.idx.msk [tilespmem:v7+s18+$0x0], $0xffff;
	_ =	sdelay $0x4  }
0x133: {  	[tilespmem:v8+s24+$0x0] =	vst.idx.add.f32.msk $0xffff, v7  }
0x134: {  	v7 =	vld [tilespmem:s28+$0x20];
	_ =	sdelay $0x4  }
0x135: {  	v8 =	vld [tilespmem:s28+$0x27A0];
	_ =	sdelay $0x2  }
0x136: {  	v9 =	vld.idx.msk [tilespmem:v7+s17+$0x0], $0xffff;
	_ =	sdelay $0x4  }
0x137: {  	[tilespmem:v8+s19+$0x0] =	vst.idx.add.f32.msk $0xffff, v9  }
0x138: {  	v7 =	vld.idx.msk [tilespmem:v7+s18+$0x0], $0xffff;
	_ =	sdelay $0x4  }
0x139: {  	[tilespmem:v8+s24+$0x0] =	vst.idx.add.f32.msk $0xffff, v7  }
0x13a: {  	v7 =	vld [tilespmem:s28+$0x30];
	_ =	sdelay $0x4  }
0x13b: {  	v8 =	vld [tilespmem:s28+$0x27B0];
	_ =	sdelay $0x2  }
0x13c: {  	v9 =	vld.idx.msk [tilespmem:v7+s17+$0x0], $0xffff;
	_ =	sdelay $0x4  }
0x13d: {  	[tilespmem:v8+s19+$0x0] =	vst.idx.add.f32.msk $0xffff, v9  }
0x13e: {  	v7 =	vld.idx.msk [tilespmem:v7+s18+$0x0], $0xffff;
	_ =	sdelay $0x4  }
0x13f: {  	[tilespmem:v8+s24+$0x0] =	vst.idx.add.f32.msk $0xffff, v7  }
0x140: {  	v7 =	vld [tilespmem:s28+$0x40];
	_ =	sdelay $0x4  }
0x141: {  	v8 =	vld [tilespmem:s28+$0x27C0];
	_ =	sdelay $0x2  }
0x142: {  	v9 =	vld.idx.msk [tilespmem:v7+s17+$0x0], $0xffff;
	_ =	sdelay $0x4  }
0x143: {  	[tilespmem:v8+s19+$0x0] =	vst.idx.add.f32.msk $0xffff, v9  }
0x144: {  	p2 =	sne.s32 s26, $0x9B00;
	v7 =	vld.idx.msk [tilespmem:v7+s18+$0x0], $0xffff  }
.Ltmp7:
0x145: {  	_ = 	snop;
	(pc) =	sbr.rel @p2 .LBB2_16-.Ltmp7, $2  }
0x146: {  	_ =	sdelay $0x2  }
0x147: {  	s26 =	sadd.s32 $0x140, s26;
	[tilespmem:v8+s24+$0x0] =	vst.idx.add.f32.msk $0xffff, v7  }
0x148: {  	_ =	strace $0x9000004F  }
0x149: {  	_ =	strace $0x80000050  }
0x14a: {  	[hbm4b:s10+s3] =	stream.linear.scatter [tilespmem:s19], [sflag:$0x3], $0x2800, $0x200038;
	[tilespmem:$0x14200] =	vst v63  }
0x14b: {  	_ =	swait.ge [sflag:s15], $0x2800  }
0x14c: {  	s25 =	sadd.s32 $0x1, s25;
	[sflag:s15] =	ssyncset.done $0x0  }
0x14d: {  	p2 =	sne.s32 s25, s12;
	[sflag:s15] =	ssyncadd.s32 $0xFFFFD800  }
0x14e: {  	[hbm4b:s11+s3] =	stream.linear.scatter [tilespmem:s24], [sflag:$0x3], $0x2800, $0x200038;
	[tilespmem:$0x14200] =	vst v63  }
.Ltmp8:
0x14f: {  	_ = 	snop;
	(pc) =	sbr.rel @p2 .LBB2_1-.Ltmp8, $4  }
0x150: {  	_ =	swait.ge [sflag:s15], $0x2800  }
0x151: {  	[sflag:s15] =	ssyncset.done $0x0  }
0x152: {  	[sflag:s15] =	ssyncadd.s32 $0xFFFFD800  }
0x153: {  	_ =	strace $0x90000050  }
0x154: {  	_ =	sfence.sel $0x180000  }
0x155: {  	[bflag:$0x0] =	sbarrier.arrive $0xFFFF  }
0x156: {  	_ =	strace $0x90000047  }
0x157: {  	s0 =	sadd.s32 @!p0 $0x100000, s0;
	[bflag:$0x2] =	sbarrier.arrive $0xFFFF  }
0x158: {  	[sflag:s0] =	ssyncadd.tile.s32 @!p0 $0x1;
	_ =	shalt  }
.Lfunc_end2:
_tile_overlayer_lowered:
.L_overlay_start_2:
0x159: {  	(tag) =	ssettag $0x2  }
0x15a: {  	s0 =	rddreg [dreg:$0x0];
	s2 =	stileid.u32  }
0x15b: {  	s1 =	rddreg [dreg:$0x1];
	p0 =	sne.s32 s2, $0x0  }
0x15c: {  	s3 =	rddreg [dreg:$0x2];
	[bflag:$0x3] =	sbarrier.arrive $0xFFFF;
	s2 =	simm.s32 @!p0 $0x1C03  }
0x15d: {  	[timem:s3], [sflag:s2] =	dma.local @!p0 [hbm:s0], s1  }
0x15e: {  	s0 =	simm.s32 @!p0 $0x3  }
0x15f: {  	_ =	swait.ge @!p0 [sflag:s0], s1  }
0x160: {  	s1 =	ssub.s32 @!p0 $0x0, s1;
	[sflag:s0] =	ssyncset.done @!p0 $0x0  }
0x161: {  	[sflag:s0] =	ssyncadd.s32 @!p0 s1  }
0x162: {  	[bflag:$0x3] =	sbarrier.arrive $0xFFFF  }
0x163: {  	_ =	shalt  }

</sc_bundles>
